<compile_context>
chip_gen: v7x
topology: tpu7x:2x2x1
jax: 0.10.2.dev20260603
libtpu: 0.0.44.dev20260713+nightly
codegen_flags: <defaults>
</compile_context>

<pallas_src>
import functools

import jax
import jax.numpy as jnp
from jax import lax
from jax.experimental import pallas as pl
from jax.experimental.pallas import tpu as pltpu
from jax.experimental.pallas import tpu_sc as plsc

NUM_CORES = 2
NUM_SUBCORES = 16
NUM_WORKERS = NUM_CORES * NUM_SUBCORES
LANES = 16
UNROLL = 16
HALF = 50048
MAIN1 = 49920


def _make_gather(dim, vocab, batch):
    rows_per_w = dim // NUM_WORKERS

    mesh = plsc.VectorSubcoreMesh(core_axis_name="c", subcore_axis_name="s")

    @functools.partial(
        pl.kernel,
        mesh=mesh,
        out_type=jax.ShapeDtypeStruct((dim, batch), jnp.float32),
        scratch_types=[
            pltpu.VMEM((batch,), jnp.int32),
            pltpu.VMEM((1, HALF), jnp.float32),
            pltpu.VMEM((1, batch), jnp.float32),
        ],
        compiler_params=pltpu.CompilerParams(needs_layout_passes=False),
    )
    def gather_kernel(table_hbm, tail_hbm, idx_hbm, out_hbm, idsv, rowv,
                      outv):
        wid = lax.axis_index("s") * NUM_CORES + lax.axis_index("c")
        pltpu.sync_copy(idx_hbm, idsv)
        zeros = jnp.zeros((LANES,), jnp.int32)
        iota = lax.iota(jnp.int32, LANES)

        def sweep(lo):
            def body(i, _):
                bases = [(i * UNROLL + j) * LANES for j in range(UNROLL)]
                ids = [idsv[pl.ds(b, LANES)] - lo for b in bases]
                if lo == 0:
                    ms = [v < HALF for v in ids]
                else:
                    ms = [v >= 0 for v in ids]
                xs = [
                    plsc.load_gather(rowv, [zeros, v], mask=m)
                    for v, m in zip(ids, ms)
                ]
                for b, x, m in zip(bases, xs, ms):
                    plsc.store_scatter(outv, [zeros, iota + b], x, mask=m)
                return _

            lax.fori_loop(0, batch // (LANES * UNROLL), body, None)

        for r in range(rows_per_w):
            d = wid * rows_per_w + r
            row = table_hbm.at[pl.ds(d, 1)]
            pltpu.sync_copy(row.at[:, pl.ds(0, HALF)], rowv)
            sweep(0)
            pltpu.sync_copy(row.at[:, pl.ds(HALF, MAIN1)],
                            rowv.at[:, pl.ds(0, MAIN1)])
            pltpu.sync_copy(tail_hbm.at[pl.ds(d, 1)],
                            rowv.at[:, pl.ds(MAIN1, 128)])
            sweep(HALF)
            pltpu.sync_copy(outv, out_hbm.at[pl.ds(d, 1)])

    return gather_kernel


def kernel(topology_ids, embedding_table):
    vocab, dim = embedding_table.shape
    (batch,) = topology_ids.shape
    table_t = embedding_table.T
    tail = jnp.pad(table_t[:, HALF + MAIN1:], ((0, 0), (0, 96)))
    gather = _make_gather(dim, vocab, batch)
    out_t = gather(table_t, tail, topology_ids.astype(jnp.int32))
    return out_t.T

# --- scband reference (transcript-rebuilt; emitter-appended) ---
"""Pipeline reference for scband-topology-embedding-32238024524510 (READ-ONLY COPY).

The authoritative reference and input builder live on the scoring server;
editing this copy changes nothing except your own understanding.
"""

import jax, jax.numpy as jnp
import numpy as np

NUM_TOPOLOGIES = 100000
EMBED_DIM = 64
BATCH = 16384

def setup_inputs(seed: int = 0) -> dict:
    key = jax.random.key(seed)
    k_idx, k_emb = jax.random.split(key)
    topology_ids = jax.random.randint(k_idx, (BATCH,), 0, NUM_TOPOLOGIES, dtype=jnp.int64 if jax.config.jax_enable_x64 else jnp.int32)
    embedding_table = jax.random.normal(k_emb, (NUM_TOPOLOGIES, EMBED_DIM), dtype=jnp.float32)
    return {"topology_ids": topology_ids, "embedding_table": embedding_table}

def reference(topology_ids, embedding_table):
    # nn.Embedding forward: gather rows of the table by index
    return jnp.take(embedding_table, topology_ids, axis=0)

if __name__ == "__main__":
    import jax
    _d = setup_inputs()
    print(jax.jit(kernel)(*tuple(_d.values())))

</pallas_src>

<mosaic_0001>
#map = affine_map<(d0, d1) -> (0, 0)>
#map1 = affine_map<(d0, d1) -> (0)>
module attributes {stable_mosaic.version = 14 : i64} {
  func.func @gather_kernel(%arg0: i32, %arg1: i32, %arg2: memref<64x100000xf32, #tpu.memory_space<hbm>>, %arg3: memref<64x128xf32, #tpu.memory_space<hbm>>, %arg4: memref<16384xi32, #tpu.memory_space<hbm>>, %arg5: memref<64x16384xf32, #tpu.memory_space<hbm>>, %arg6: memref<16384xi32, #tpu.memory_space<vmem>>, %arg7: memref<1x50048xf32, #tpu.memory_space<vmem>>, %arg8: memref<1x16384xf32, #tpu.memory_space<vmem>>) attributes {dimension_semantics = [#tpu.dimension_semantics<core_parallel>, #tpu.dimension_semantics<subcore_parallel>], iteration_bounds = array<i64: 2, 16>, scalar_prefetch = 0 : i64, scratch_operands = 3 : i64, tpu.core_type = #tpu.core_type<sc_vector_subcore>, window_params = [{transform_indices = #map}, {transform_indices = #map}, {transform_indices = #map1}, {transform_indices = #map}]} {
    %mul3A = arith.constant 2 : i32
    %mul3A_0 = arith.muli %arg1, %mul3A : i32
    %add3A = arith.addi %mul3A_0, %arg0 : i32
    "tpu.region"() ({
      %run_scoped3A = tpu.sem_alloc : memref<!tpu.dma_semaphore, #tpu.memory_space<semaphore_mem>>
      tpu.enqueue_dma source(%arg4 : memref<16384xi32, #tpu.memory_space<hbm>>) target(%arg6 : memref<16384xi32, #tpu.memory_space<vmem>>) target_semaphore(%run_scoped3A : memref<!tpu.dma_semaphore, #tpu.memory_space<semaphore_mem>>)
      tpu.wait_dma2 semaphore(%run_scoped3A : memref<!tpu.dma_semaphore, #tpu.memory_space<semaphore_mem>>) src(%arg4 : memref<16384xi32, #tpu.memory_space<hbm>>) dst(%arg6 : memref<16384xi32, #tpu.memory_space<vmem>>)
      tpu.yield
    }) : () -> ()
    %broadcast_in_dim3A = arith.constant 0 : i32
    %broadcast_in_dim3A_1 = vector.broadcast %broadcast_in_dim3A : i32 to vector<16xi32>
    %iota3A = tpu.iota {dimensions = array<i32: 0>} : vector<16xi32>
    %mul3A_2 = arith.constant 2 : i32
    %mul3A_3 = arith.muli %add3A, %mul3A_2 : i32
    %add3A_4 = arith.constant 0 : i32
    %add3A_5 = arith.addi %mul3A_3, %add3A_4 : i32
    "tpu.region"() ({
      %run_scoped3A = tpu.sem_alloc : memref<!tpu.dma_semaphore, #tpu.memory_space<semaphore_mem>>
      %dma_start3A = arith.constant 0 : i32
      %dma_start3A_29 = tpu.memref_slice %arg2[%add3A_5, %dma_start3A] : memref<64x100000xf32, #tpu.memory_space<hbm>> -> memref<1x100000xf32, #tpu.memory_space<hbm>>
      %dma_start3A_30 = arith.constant 0 : i32
      %dma_start3A_31 = arith.constant 0 : i32
      %dma_start3A_32 = tpu.memref_slice %dma_start3A_29[%dma_start3A_30, %dma_start3A_31] : memref<1x100000xf32, #tpu.memory_space<hbm>> -> memref<1x50048xf32, #tpu.memory_space<hbm>>
      %dma_start3A_33 = arith.constant 0 : i32
      %dma_start3A_34 = tpu.memref_slice %arg2[%add3A_5, %dma_start3A_33] : memref<64x100000xf32, #tpu.memory_space<hbm>> -> memref<1x100000xf32, #tpu.memory_space<hbm>>
      %dma_start3A_35 = arith.constant 0 : i32
      %dma_start3A_36 = arith.constant 0 : i32
      %dma_start3A_37 = tpu.memref_slice %dma_start3A_34[%dma_start3A_35, %dma_start3A_36] : memref<1x100000xf32, #tpu.memory_space<hbm>> -> memref<1x50048xf32, #tpu.memory_space<hbm>>
      tpu.enqueue_dma source(%dma_start3A_37 : memref<1x50048xf32, #tpu.memory_space<hbm>>) target(%arg7 : memref<1x50048xf32, #tpu.memory_space<vmem>>) target_semaphore(%run_scoped3A : memref<!tpu.dma_semaphore, #tpu.memory_space<semaphore_mem>>)
      %dma_wait3A = arith.constant 0 : i32
      %dma_wait3A_38 = tpu.memref_slice %arg2[%add3A_5, %dma_wait3A] : memref<64x100000xf32, #tpu.memory_space<hbm>> -> memref<1x100000xf32, #tpu.memory_space<hbm>>
      %dma_wait3A_39 = arith.constant 0 : i32
      %dma_wait3A_40 = arith.constant 0 : i32
      %dma_wait3A_41 = tpu.memref_slice %dma_wait3A_38[%dma_wait3A_39, %dma_wait3A_40] : memref<1x100000xf32, #tpu.memory_space<hbm>> -> memref<1x50048xf32, #tpu.memory_space<hbm>>
      %dma_wait3A_42 = arith.constant 0 : i32
      %dma_wait3A_43 = tpu.memref_slice %arg2[%add3A_5, %dma_wait3A_42] : memref<64x100000xf32, #tpu.memory_space<hbm>> -> memref<1x100000xf32, #tpu.memory_space<hbm>>
      %dma_wait3A_44 = arith.constant 0 : i32
      %dma_wait3A_45 = arith.constant 0 : i32
      %dma_wait3A_46 = tpu.memref_slice %dma_wait3A_43[%dma_wait3A_44, %dma_wait3A_45] : memref<1x100000xf32, #tpu.memory_space<hbm>> -> memref<1x50048xf32, #tpu.memory_space<hbm>>
      tpu.wait_dma2 semaphore(%run_scoped3A : memref<!tpu.dma_semaphore, #tpu.memory_space<semaphore_mem>>) src(%dma_wait3A_46 : memref<1x50048xf32, #tpu.memory_space<hbm>>) dst(%arg7 : memref<1x50048xf32, #tpu.memory_space<vmem>>)
      tpu.yield
    }) : () -> ()
    %scan3A = arith.constant 0 : i32
    %scan3A_6 = arith.constant 64 : i32
    %scan3A_7 = arith.addi %scan3A, %scan3A_6 : i32
    %scan3A_8 = arith.constant 1 : i32
    scf.for %scan3A_29 = %scan3A to %scan3A_7 step %scan3A_8  : i32 {
      %mul3A_30 = arith.constant 16 : i32
      %mul3A_31 = arith.muli %scan3A_29, %mul3A_30 : i32
      %add3A_32 = arith.constant 0 : i32
      %add3A_33 = arith.addi %mul3A_31, %add3A_32 : i32
      %mul3A_34 = arith.constant 16 : i32
      %mul3A_35 = arith.muli %add3A_33, %mul3A_34 : i32
      %mul3A_36 = arith.constant 16 : i32
      %mul3A_37 = arith.muli %scan3A_29, %mul3A_36 : i32
      %add3A_38 = arith.constant 1 : i32
      %add3A_39 = arith.addi %mul3A_37, %add3A_38 : i32
      %mul3A_40 = arith.constant 16 : i32
      %mul3A_41 = arith.muli %add3A_39, %mul3A_40 : i32
      %mul3A_42 = arith.constant 16 : i32
      %mul3A_43 = arith.muli %scan3A_29, %mul3A_42 : i32
      %add3A_44 = arith.constant 2 : i32
      %add3A_45 = arith.addi %mul3A_43, %add3A_44 : i32
      %mul3A_46 = arith.constant 16 : i32
      %mul3A_47 = arith.muli %add3A_45, %mul3A_46 : i32
      %mul3A_48 = arith.constant 16 : i32
      %mul3A_49 = arith.muli %scan3A_29, %mul3A_48 : i32
      %add3A_50 = arith.constant 3 : i32
      %add3A_51 = arith.addi %mul3A_49, %add3A_50 : i32
      %mul3A_52 = arith.constant 16 : i32
      %mul3A_53 = arith.muli %add3A_51, %mul3A_52 : i32
      %mul3A_54 = arith.constant 16 : i32
      %mul3A_55 = arith.muli %scan3A_29, %mul3A_54 : i32
      %add3A_56 = arith.constant 4 : i32
      %add3A_57 = arith.addi %mul3A_55, %add3A_56 : i32
      %mul3A_58 = arith.constant 16 : i32
      %mul3A_59 = arith.muli %add3A_57, %mul3A_58 : i32
      %mul3A_60 = arith.constant 16 : i32
      %mul3A_61 = arith.muli %scan3A_29, %mul3A_60 : i32
      %add3A_62 = arith.constant 5 : i32
      %add3A_63 = arith.addi %mul3A_61, %add3A_62 : i32
      %mul3A_64 = arith.constant 16 : i32
      %mul3A_65 = arith.muli %add3A_63, %mul3A_64 : i32
      %mul3A_66 = arith.constant 16 : i32
      %mul3A_67 = arith.muli %scan3A_29, %mul3A_66 : i32
      %add3A_68 = arith.constant 6 : i32
      %add3A_69 = arith.addi %mul3A_67, %add3A_68 : i32
      %mul3A_70 = arith.constant 16 : i32
      %mul3A_71 = arith.muli %add3A_69, %mul3A_70 : i32
      %mul3A_72 = arith.constant 16 : i32
      %mul3A_73 = arith.muli %scan3A_29, %mul3A_72 : i32
      %add3A_74 = arith.constant 7 : i32
      %add3A_75 = arith.addi %mul3A_73, %add3A_74 : i32
      %mul3A_76 = arith.constant 16 : i32
      %mul3A_77 = arith.muli %add3A_75, %mul3A_76 : i32
      %mul3A_78 = arith.constant 16 : i32
      %mul3A_79 = arith.muli %scan3A_29, %mul3A_78 : i32
      %add3A_80 = arith.constant 8 : i32
      %add3A_81 = arith.addi %mul3A_79, %add3A_80 : i32
      %mul3A_82 = arith.constant 16 : i32
      %mul3A_83 = arith.muli %add3A_81, %mul3A_82 : i32
      %mul3A_84 = arith.constant 16 : i32
      %mul3A_85 = arith.muli %scan3A_29, %mul3A_84 : i32
      %add3A_86 = arith.constant 9 : i32
      %add3A_87 = arith.addi %mul3A_85, %add3A_86 : i32
      %mul3A_88 = arith.constant 16 : i32
      %mul3A_89 = arith.muli %add3A_87, %mul3A_88 : i32
      %mul3A_90 = arith.constant 16 : i32
      %mul3A_91 = arith.muli %scan3A_29, %mul3A_90 : i32
      %add3A_92 = arith.constant 10 : i32
      %add3A_93 = arith.addi %mul3A_91, %add3A_92 : i32
      %mul3A_94 = arith.constant 16 : i32
      %mul3A_95 = arith.muli %add3A_93, %mul3A_94 : i32
      %mul3A_96 = arith.constant 16 : i32
      %mul3A_97 = arith.muli %scan3A_29, %mul3A_96 : i32
      %add3A_98 = arith.constant 11 : i32
      %add3A_99 = arith.addi %mul3A_97, %add3A_98 : i32
      %mul3A_100 = arith.constant 16 : i32
      %mul3A_101 = arith.muli %add3A_99, %mul3A_100 : i32
      %mul3A_102 = arith.constant 16 : i32
      %mul3A_103 = arith.muli %scan3A_29, %mul3A_102 : i32
      %add3A_104 = arith.constant 12 : i32
      %add3A_105 = arith.addi %mul3A_103, %add3A_104 : i32
      %mul3A_106 = arith.constant 16 : i32
      %mul3A_107 = arith.muli %add3A_105, %mul3A_106 : i32
      %mul3A_108 = arith.constant 16 : i32
      %mul3A_109 = arith.muli %scan3A_29, %mul3A_108 : i32
      %add3A_110 = arith.constant 13 : i32
      %add3A_111 = arith.addi %mul3A_109, %add3A_110 : i32
      %mul3A_112 = arith.constant 16 : i32
      %mul3A_113 = arith.muli %add3A_111, %mul3A_112 : i32
      %mul3A_114 = arith.constant 16 : i32
      %mul3A_115 = arith.muli %scan3A_29, %mul3A_114 : i32
      %add3A_116 = arith.constant 14 : i32
      %add3A_117 = arith.addi %mul3A_115, %add3A_116 : i32
      %mul3A_118 = arith.constant 16 : i32
      %mul3A_119 = arith.muli %add3A_117, %mul3A_118 : i32
      %mul3A_120 = arith.constant 16 : i32
      %mul3A_121 = arith.muli %scan3A_29, %mul3A_120 : i32
      %add3A_122 = arith.constant 15 : i32
      %add3A_123 = arith.addi %mul3A_121, %add3A_122 : i32
      %mul3A_124 = arith.constant 16 : i32
      %mul3A_125 = arith.muli %add3A_123, %mul3A_124 : i32
      %get3A = arith.index_cast %mul3A_35 : i32 to index
      %get3A_126 = tpu.vector_load %arg6[%get3A] {strides = array<i32>} : memref<16384xi32, #tpu.memory_space<vmem>>, vector<16xi32>,
      %sub3A = arith.constant 0 : i32
      %sub3A_127 = vector.broadcast %sub3A : i32 to vector<16xi32>
      %sub3A_128 = arith.subi %get3A_126, %sub3A_127 : vector<16xi32>
      %get3A_129 = arith.index_cast %mul3A_41 : i32 to index
      %get3A_130 = tpu.vector_load %arg6[%get3A_129] {strides = array<i32>} : memref<16384xi32, #tpu.memory_space<vmem>>, vector<16xi32>,
      %sub3A_131 = arith.constant 0 : i32
      %sub3A_132 = vector.broadcast %sub3A_131 : i32 to vector<16xi32>
      %sub3A_133 = arith.subi %get3A_130, %sub3A_132 : vector<16xi32>
      %get3A_134 = arith.index_cast %mul3A_47 : i32 to index
      %get3A_135 = tpu.vector_load %arg6[%get3A_134] {strides = array<i32>} : memref<16384xi32, #tpu.memory_space<vmem>>, vector<16xi32>,
      %sub3A_136 = arith.constant 0 : i32
      %sub3A_137 = vector.broadcast %sub3A_136 : i32 to vector<16xi32>
      %sub3A_138 = arith.subi %get3A_135, %sub3A_137 : vector<16xi32>
      %get3A_139 = arith.index_cast %mul3A_53 : i32 to index
      %get3A_140 = tpu.vector_load %arg6[%get3A_139] {strides = array<i32>} : memref<16384xi32, #tpu.memory_space<vmem>>, vector<16xi32>,
      %sub3A_141 = arith.constant 0 : i32
      %sub3A_142 = vector.broadcast %sub3A_141 : i32 to vector<16xi32>
      %sub3A_143 = arith.subi %get3A_140, %sub3A_142 : vector<16xi32>
      %get3A_144 = arith.index_cast %mul3A_59 : i32 to index
      %get3A_145 = tpu.vector_load %arg6[%get3A_144] {strides = array<i32>} : memref<16384xi32, #tpu.memory_space<vmem>>, vector<16xi32>,
      %sub3A_146 = arith.constant 0 : i32
      %sub3A_147 = vector.broadcast %sub3A_146 : i32 to vector<16xi32>
      %sub3A_148 = arith.subi %get3A_145, %sub3A_147 : vector<16xi32>
      %get3A_149 = arith.index_cast %mul3A_65 : i32 to index
      %get3A_150 = tpu.vector_load %arg6[%get3A_149] {strides = array<i32>} : memref<16384xi32, #tpu.memory_space<vmem>>, vector<16xi32>,
      %sub3A_151 = arith.constant 0 : i32
      %sub3A_152 = vector.broadcast %sub3A_151 : i32 to vector<16xi32>
      %sub3A_153 = arith.subi %get3A_150, %sub3A_152 : vector<16xi32>
      %get3A_154 = arith.index_cast %mul3A_71 : i32 to index
      %get3A_155 = tpu.vector_load %arg6[%get3A_154] {strides = array<i32>} : memref<16384xi32, #tpu.memory_space<vmem>>, vector<16xi32>,
      %sub3A_156 = arith.constant 0 : i32
      %sub3A_157 = vector.broadcast %sub3A_156 : i32 to vector<16xi32>
      %sub3A_158 = arith.subi %get3A_155, %sub3A_157 : vector<16xi32>
      %get3A_159 = arith.index_cast %mul3A_77 : i32 to index
      %get3A_160 = tpu.vector_load %arg6[%get3A_159] {strides = array<i32>} : memref<16384xi32, #tpu.memory_space<vmem>>, vector<16xi32>,
      %sub3A_161 = arith.constant 0 : i32
      %sub3A_162 = vector.broadcast %sub3A_161 : i32 to vector<16xi32>
      %sub3A_163 = arith.subi %get3A_160, %sub3A_162 : vector<16xi32>
      %get3A_164 = arith.index_cast %mul3A_83 : i32 to index
      %get3A_165 = tpu.vector_load %arg6[%get3A_164] {strides = array<i32>} : memref<16384xi32, #tpu.memory_space<vmem>>, vector<16xi32>,
      %sub3A_166 = arith.constant 0 : i32
      %sub3A_167 = vector.broadcast %sub3A_166 : i32 to vector<16xi32>
      %sub3A_168 = arith.subi %get3A_165, %sub3A_167 : vector<16xi32>
      %get3A_169 = arith.index_cast %mul3A_89 : i32 to index
      %get3A_170 = tpu.vector_load %arg6[%get3A_169] {strides = array<i32>} : memref<16384xi32, #tpu.memory_space<vmem>>, vector<16xi32>,
      %sub3A_171 = arith.constant 0 : i32
      %sub3A_172 = vector.broadcast %sub3A_171 : i32 to vector<16xi32>
      %sub3A_173 = arith.subi %get3A_170, %sub3A_172 : vector<16xi32>
      %get3A_174 = arith.index_cast %mul3A_95 : i32 to index
      %get3A_175 = tpu.vector_load %arg6[%get3A_174] {strides = array<i32>} : memref<16384xi32, #tpu.memory_space<vmem>>, vector<16xi32>,
      %sub3A_176 = arith.constant 0 : i32
      %sub3A_177 = vector.broadcast %sub3A_176 : i32 to vector<16xi32>
      %sub3A_178 = arith.subi %get3A_175, %sub3A_177 : vector<16xi32>
      %get3A_179 = arith.index_cast %mul3A_101 : i32 to index
      %get3A_180 = tpu.vector_load %arg6[%get3A_179] {strides = array<i32>} : memref<16384xi32, #tpu.memory_space<vmem>>, vector<16xi32>,
      %sub3A_181 = arith.constant 0 : i32
      %sub3A_182 = vector.broadcast %sub3A_181 : i32 to vector<16xi32>
      %sub3A_183 = arith.subi %get3A_180, %sub3A_182 : vector<16xi32>
      %get3A_184 = arith.index_cast %mul3A_107 : i32 to index
      %get3A_185 = tpu.vector_load %arg6[%get3A_184] {strides = array<i32>} : memref<16384xi32, #tpu.memory_space<vmem>>, vector<16xi32>,
      %sub3A_186 = arith.constant 0 : i32
      %sub3A_187 = vector.broadcast %sub3A_186 : i32 to vector<16xi32>
      %sub3A_188 = arith.subi %get3A_185, %sub3A_187 : vector<16xi32>
      %get3A_189 = arith.index_cast %mul3A_113 : i32 to index
      %get3A_190 = tpu.vector_load %arg6[%get3A_189] {strides = array<i32>} : memref<16384xi32, #tpu.memory_space<vmem>>, vector<16xi32>,
      %sub3A_191 = arith.constant 0 : i32
      %sub3A_192 = vector.broadcast %sub3A_191 : i32 to vector<16xi32>
      %sub3A_193 = arith.subi %get3A_190, %sub3A_192 : vector<16xi32>
      %get3A_194 = arith.index_cast %mul3A_119 : i32 to index
      %get3A_195 = tpu.vector_load %arg6[%get3A_194] {strides = array<i32>} : memref<16384xi32, #tpu.memory_space<vmem>>, vector<16xi32>,
      %sub3A_196 = arith.constant 0 : i32
      %sub3A_197 = vector.broadcast %sub3A_196 : i32 to vector<16xi32>
      %sub3A_198 = arith.subi %get3A_195, %sub3A_197 : vector<16xi32>
      %get3A_199 = arith.index_cast %mul3A_125 : i32 to index
      %get3A_200 = tpu.vector_load %arg6[%get3A_199] {strides = array<i32>} : memref<16384xi32, #tpu.memory_space<vmem>>, vector<16xi32>,
      %sub3A_201 = arith.constant 0 : i32
      %sub3A_202 = vector.broadcast %sub3A_201 : i32 to vector<16xi32>
      %sub3A_203 = arith.subi %get3A_200, %sub3A_202 : vector<16xi32>
      %lt3A = arith.constant 50048 : i32
      %lt3A_204 = vector.broadcast %lt3A : i32 to vector<16xi32>
      %lt3A_205 = arith.cmpi slt, %sub3A_128, %lt3A_204 : vector<16xi32>
      %lt3A_206 = arith.constant 50048 : i32
      %lt3A_207 = vector.broadcast %lt3A_206 : i32 to vector<16xi32>
      %lt3A_208 = arith.cmpi slt, %sub3A_133, %lt3A_207 : vector<16xi32>
      %lt3A_209 = arith.constant 50048 : i32
      %lt3A_210 = vector.broadcast %lt3A_209 : i32 to vector<16xi32>
      %lt3A_211 = arith.cmpi slt, %sub3A_138, %lt3A_210 : vector<16xi32>
      %lt3A_212 = arith.constant 50048 : i32
      %lt3A_213 = vector.broadcast %lt3A_212 : i32 to vector<16xi32>
      %lt3A_214 = arith.cmpi slt, %sub3A_143, %lt3A_213 : vector<16xi32>
      %lt3A_215 = arith.constant 50048 : i32
      %lt3A_216 = vector.broadcast %lt3A_215 : i32 to vector<16xi32>
      %lt3A_217 = arith.cmpi slt, %sub3A_148, %lt3A_216 : vector<16xi32>
      %lt3A_218 = arith.constant 50048 : i32
      %lt3A_219 = vector.broadcast %lt3A_218 : i32 to vector<16xi32>
      %lt3A_220 = arith.cmpi slt, %sub3A_153, %lt3A_219 : vector<16xi32>
      %lt3A_221 = arith.constant 50048 : i32
      %lt3A_222 = vector.broadcast %lt3A_221 : i32 to vector<16xi32>
      %lt3A_223 = arith.cmpi slt, %sub3A_158, %lt3A_222 : vector<16xi32>
      %lt3A_224 = arith.constant 50048 : i32
      %lt3A_225 = vector.broadcast %lt3A_224 : i32 to vector<16xi32>
      %lt3A_226 = arith.cmpi slt, %sub3A_163, %lt3A_225 : vector<16xi32>
      %lt3A_227 = arith.constant 50048 : i32
      %lt3A_228 = vector.broadcast %lt3A_227 : i32 to vector<16xi32>
      %lt3A_229 = arith.cmpi slt, %sub3A_168, %lt3A_228 : vector<16xi32>
      %lt3A_230 = arith.constant 50048 : i32
      %lt3A_231 = vector.broadcast %lt3A_230 : i32 to vector<16xi32>
      %lt3A_232 = arith.cmpi slt, %sub3A_173, %lt3A_231 : vector<16xi32>
      %lt3A_233 = arith.constant 50048 : i32
      %lt3A_234 = vector.broadcast %lt3A_233 : i32 to vector<16xi32>
      %lt3A_235 = arith.cmpi slt, %sub3A_178, %lt3A_234 : vector<16xi32>
      %lt3A_236 = arith.constant 50048 : i32
      %lt3A_237 = vector.broadcast %lt3A_236 : i32 to vector<16xi32>
      %lt3A_238 = arith.cmpi slt, %sub3A_183, %lt3A_237 : vector<16xi32>
      %lt3A_239 = arith.constant 50048 : i32
      %lt3A_240 = vector.broadcast %lt3A_239 : i32 to vector<16xi32>
      %lt3A_241 = arith.cmpi slt, %sub3A_188, %lt3A_240 : vector<16xi32>
      %lt3A_242 = arith.constant 50048 : i32
      %lt3A_243 = vector.broadcast %lt3A_242 : i32 to vector<16xi32>
      %lt3A_244 = arith.cmpi slt, %sub3A_193, %lt3A_243 : vector<16xi32>
      %lt3A_245 = arith.constant 50048 : i32
      %lt3A_246 = vector.broadcast %lt3A_245 : i32 to vector<16xi32>
      %lt3A_247 = arith.cmpi slt, %sub3A_198, %lt3A_246 : vector<16xi32>
      %lt3A_248 = arith.constant 50048 : i32
      %lt3A_249 = vector.broadcast %lt3A_248 : i32 to vector<16xi32>
      %lt3A_250 = arith.cmpi slt, %sub3A_203, %lt3A_249 : vector<16xi32>
      %gather3A = tpu.vector_load_idx %arg7[%broadcast_in_dim3A_1, %sub3A_128] masked %lt3A_205 : memref<1x50048xf32, #tpu.memory_space<vmem>>[vector<16xi32>, vector<16xi32>], vector<16xf32>, vector<16xi1>
      %gather3A_251 = tpu.vector_load_idx %arg7[%broadcast_in_dim3A_1, %sub3A_133] masked %lt3A_208 : memref<1x50048xf32, #tpu.memory_space<vmem>>[vector<16xi32>, vector<16xi32>], vector<16xf32>, vector<16xi1>
      %gather3A_252 = tpu.vector_load_idx %arg7[%broadcast_in_dim3A_1, %sub3A_138] masked %lt3A_211 : memref<1x50048xf32, #tpu.memory_space<vmem>>[vector<16xi32>, vector<16xi32>], vector<16xf32>, vector<16xi1>
      %gather3A_253 = tpu.vector_load_idx %arg7[%broadcast_in_dim3A_1, %sub3A_143] masked %lt3A_214 : memref<1x50048xf32, #tpu.memory_space<vmem>>[vector<16xi32>, vector<16xi32>], vector<16xf32>, vector<16xi1>
      %gather3A_254 = tpu.vector_load_idx %arg7[%broadcast_in_dim3A_1, %sub3A_148] masked %lt3A_217 : memref<1x50048xf32, #tpu.memory_space<vmem>>[vector<16xi32>, vector<16xi32>], vector<16xf32>, vector<16xi1>
      %gather3A_255 = tpu.vector_load_idx %arg7[%broadcast_in_dim3A_1, %sub3A_153] masked %lt3A_220 : memref<1x50048xf32, #tpu.memory_space<vmem>>[vector<16xi32>, vector<16xi32>], vector<16xf32>, vector<16xi1>
      %gather3A_256 = tpu.vector_load_idx %arg7[%broadcast_in_dim3A_1, %sub3A_158] masked %lt3A_223 : memref<1x50048xf32, #tpu.memory_space<vmem>>[vector<16xi32>, vector<16xi32>], vector<16xf32>, vector<16xi1>
      %gather3A_257 = tpu.vector_load_idx %arg7[%broadcast_in_dim3A_1, %sub3A_163] masked %lt3A_226 : memref<1x50048xf32, #tpu.memory_space<vmem>>[vector<16xi32>, vector<16xi32>], vector<16xf32>, vector<16xi1>
      %gather3A_258 = tpu.vector_load_idx %arg7[%broadcast_in_dim3A_1, %sub3A_168] masked %lt3A_229 : memref<1x50048xf32, #tpu.memory_space<vmem>>[vector<16xi32>, vector<16xi32>], vector<16xf32>, vector<16xi1>
      %gather3A_259 = tpu.vector_load_idx %arg7[%broadcast_in_dim3A_1, %sub3A_173] masked %lt3A_232 : memref<1x50048xf32, #tpu.memory_space<vmem>>[vector<16xi32>, vector<16xi32>], vector<16xf32>, vector<16xi1>
      %gather3A_260 = tpu.vector_load_idx %arg7[%broadcast_in_dim3A_1, %sub3A_178] masked %lt3A_235 : memref<1x50048xf32, #tpu.memory_space<vmem>>[vector<16xi32>, vector<16xi32>], vector<16xf32>, vector<16xi1>
      %gather3A_261 = tpu.vector_load_idx %arg7[%broadcast_in_dim3A_1, %sub3A_183] masked %lt3A_238 : memref<1x50048xf32, #tpu.memory_space<vmem>>[vector<16xi32>, vector<16xi32>], vector<16xf32>, vector<16xi1>
      %gather3A_262 = tpu.vector_load_idx %arg7[%broadcast_in_dim3A_1, %sub3A_188] masked %lt3A_241 : memref<1x50048xf32, #tpu.memory_space<vmem>>[vector<16xi32>, vector<16xi32>], vector<16xf32>, vector<16xi1>
      %gather3A_263 = tpu.vector_load_idx %arg7[%broadcast_in_dim3A_1, %sub3A_193] masked %lt3A_244 : memref<1x50048xf32, #tpu.memory_space<vmem>>[vector<16xi32>, vector<16xi32>], vector<16xf32>, vector<16xi1>
      %gather3A_264 = tpu.vector_load_idx %arg7[%broadcast_in_dim3A_1, %sub3A_198] masked %lt3A_247 : memref<1x50048xf32, #tpu.memory_space<vmem>>[vector<16xi32>, vector<16xi32>], vector<16xf32>, vector<16xi1>
      %gather3A_265 = tpu.vector_load_idx %arg7[%broadcast_in_dim3A_1, %sub3A_203] masked %lt3A_250 : memref<1x50048xf32, #tpu.memory_space<vmem>>[vector<16xi32>, vector<16xi32>], vector<16xf32>, vector<16xi1>
      %add3A_266 = vector.broadcast %mul3A_35 : i32 to vector<16xi32>
      %add3A_267 = arith.addi %iota3A, %add3A_266 : vector<16xi32>
      tpu.vector_store_idx %arg8[%broadcast_in_dim3A_1, %add3A_267], %gather3A masked %lt3A_205 : memref<1x16384xf32, #tpu.memory_space<vmem>>[vector<16xi32>, vector<16xi32>], vector<16xf32>, vector<16xi1>
      %add3A_268 = vector.broadcast %mul3A_41 : i32 to vector<16xi32>
      %add3A_269 = arith.addi %iota3A, %add3A_268 : vector<16xi32>
      tpu.vector_store_idx %arg8[%broadcast_in_dim3A_1, %add3A_269], %gather3A_251 masked %lt3A_208 : memref<1x16384xf32, #tpu.memory_space<vmem>>[vector<16xi32>, vector<16xi32>], vector<16xf32>, vector<16xi1>
      %add3A_270 = vector.broadcast %mul3A_47 : i32 to vector<16xi32>
      %add3A_271 = arith.addi %iota3A, %add3A_270 : vector<16xi32>
      tpu.vector_store_idx %arg8[%broadcast_in_dim3A_1, %add3A_271], %gather3A_252 masked %lt3A_211 : memref<1x16384xf32, #tpu.memory_space<vmem>>[vector<16xi32>, vector<16xi32>], vector<16xf32>, vector<16xi1>
      %add3A_272 = vector.broadcast %mul3A_53 : i32 to vector<16xi32>
      %add3A_273 = arith.addi %iota3A, %add3A_272 : vector<16xi32>
      tpu.vector_store_idx %arg8[%broadcast_in_dim3A_1, %add3A_273], %gather3A_253 masked %lt3A_214 : memref<1x16384xf32, #tpu.memory_space<vmem>>[vector<16xi32>, vector<16xi32>], vector<16xf32>, vector<16xi1>
      %add3A_274 = vector.broadcast %mul3A_59 : i32 to vector<16xi32>
      %add3A_275 = arith.addi %iota3A, %add3A_274 : vector<16xi32>
      tpu.vector_store_idx %arg8[%broadcast_in_dim3A_1, %add3A_275], %gather3A_254 masked %lt3A_217 : memref<1x16384xf32, #tpu.memory_space<vmem>>[vector<16xi32>, vector<16xi32>], vector<16xf32>, vector<16xi1>
      %add3A_276 = vector.broadcast %mul3A_65 : i32 to vector<16xi32>
      %add3A_277 = arith.addi %iota3A, %add3A_276 : vector<16xi32>
      tpu.vector_store_idx %arg8[%broadcast_in_dim3A_1, %add3A_277], %gather3A_255 masked %lt3A_220 : memref<1x16384xf32, #tpu.memory_space<vmem>>[vector<16xi32>, vector<16xi32>], vector<16xf32>, vector<16xi1>
      %add3A_278 = vector.broadcast %mul3A_71 : i32 to vector<16xi32>
      %add3A_279 = arith.addi %iota3A, %add3A_278 : vector<16xi32>
      tpu.vector_store_idx %arg8[%broadcast_in_dim3A_1, %add3A_279], %gather3A_256 masked %lt3A_223 : memref<1x16384xf32, #tpu.memory_space<vmem>>[vector<16xi32>, vector<16xi32>], vector<16xf32>, vector<16xi1>
      %add3A_280 = vector.broadcast %mul3A_77 : i32 to vector<16xi32>
      %add3A_281 = arith.addi %iota3A, %add3A_280 : vector<16xi32>
      tpu.vector_store_idx %arg8[%broadcast_in_dim3A_1, %add3A_281], %gather3A_257 masked %lt3A_226 : memref<1x16384xf32, #tpu.memory_space<vmem>>[vector<16xi32>, vector<16xi32>], vector<16xf32>, vector<16xi1>
      %add3A_282 = vector.broadcast %mul3A_83 : i32 to vector<16xi32>
      %add3A_283 = arith.addi %iota3A, %add3A_282 : vector<16xi32>
      tpu.vector_store_idx %arg8[%broadcast_in_dim3A_1, %add3A_283], %gather3A_258 masked %lt3A_229 : memref<1x16384xf32, #tpu.memory_space<vmem>>[vector<16xi32>, vector<16xi32>], vector<16xf32>, vector<16xi1>
      %add3A_284 = vector.broadcast %mul3A_89 : i32 to vector<16xi32>
      %add3A_285 = arith.addi %iota3A, %add3A_284 : vector<16xi32>
      tpu.vector_store_idx %arg8[%broadcast_in_dim3A_1, %add3A_285], %gather3A_259 masked %lt3A_232 : memref<1x16384xf32, #tpu.memory_space<vmem>>[vector<16xi32>, vector<16xi32>], vector<16xf32>, vector<16xi1>
      %add3A_286 = vector.broadcast %mul3A_95 : i32 to vector<16xi32>
      %add3A_287 = arith.addi %iota3A, %add3A_286 : vector<16xi32>
      tpu.vector_store_idx %arg8[%broadcast_in_dim3A_1, %add3A_287], %gather3A_260 masked %lt3A_235 : memref<1x16384xf32, #tpu.memory_space<vmem>>[vector<16xi32>, vector<16xi32>], vector<16xf32>, vector<16xi1>
      %add3A_288 = vector.broadcast %mul3A_101 : i32 to vector<16xi32>
      %add3A_289 = arith.addi %iota3A, %add3A_288 : vector<16xi32>
      tpu.vector_store_idx %arg8[%broadcast_in_dim3A_1, %add3A_289], %gather3A_261 masked %lt3A_238 : memref<1x16384xf32, #tpu.memory_space<vmem>>[vector<16xi32>, vector<16xi32>], vector<16xf32>, vector<16xi1>
      %add3A_290 = vector.broadcast %mul3A_107 : i32 to vector<16xi32>
      %add3A_291 = arith.addi %iota3A, %add3A_290 : vector<16xi32>
      tpu.vector_store_idx %arg8[%broadcast_in_dim3A_1, %add3A_291], %gather3A_262 masked %lt3A_241 : memref<1x16384xf32, #tpu.memory_space<vmem>>[vector<16xi32>, vector<16xi32>], vector<16xf32>, vector<16xi1>
      %add3A_292 = vector.broadcast %mul3A_113 : i32 to vector<16xi32>
      %add3A_293 = arith.addi %iota3A, %add3A_292 : vector<16xi32>
      tpu.vector_store_idx %arg8[%broadcast_in_dim3A_1, %add3A_293], %gather3A_263 masked %lt3A_244 : memref<1x16384xf32, #tpu.memory_space<vmem>>[vector<16xi32>, vector<16xi32>], vector<16xf32>, vector<16xi1>
      %add3A_294 = vector.broadcast %mul3A_119 : i32 to vector<16xi32>
      %add3A_295 = arith.addi %iota3A, %add3A_294 : vector<16xi32>
      tpu.vector_store_idx %arg8[%broadcast_in_dim3A_1, %add3A_295], %gather3A_264 masked %lt3A_247 : memref<1x16384xf32, #tpu.memory_space<vmem>>[vector<16xi32>, vector<16xi32>], vector<16xf32>, vector<16xi1>
      %add3A_296 = vector.broadcast %mul3A_125 : i32 to vector<16xi32>
      %add3A_297 = arith.addi %iota3A, %add3A_296 : vector<16xi32>
      tpu.vector_store_idx %arg8[%broadcast_in_dim3A_1, %add3A_297], %gather3A_265 masked %lt3A_250 : memref<1x16384xf32, #tpu.memory_space<vmem>>[vector<16xi32>, vector<16xi32>], vector<16xf32>, vector<16xi1>
    }
    %scan3A_9 = arith.constant 64 : i32
    "tpu.region"() ({
      %run_scoped3A = tpu.sem_alloc : memref<!tpu.dma_semaphore, #tpu.memory_space<semaphore_mem>>
      %dma_start3A = arith.constant 0 : i32
      %dma_start3A_29 = arith.constant 0 : i32
      %dma_start3A_30 = tpu.memref_slice %arg7[%dma_start3A, %dma_start3A_29] : memref<1x50048xf32, #tpu.memory_space<vmem>> -> memref<1x49920xf32, #tpu.memory_space<vmem>>
      %dma_start3A_31 = arith.constant 0 : i32
      %dma_start3A_32 = tpu.memref_slice %arg2[%add3A_5, %dma_start3A_31] : memref<64x100000xf32, #tpu.memory_space<hbm>> -> memref<1x100000xf32, #tpu.memory_space<hbm>>
      %dma_start3A_33 = arith.constant 0 : i32
      %dma_start3A_34 = arith.constant 50048 : i32
      %dma_start3A_35 = tpu.memref_slice %dma_start3A_32[%dma_start3A_33, %dma_start3A_34] : memref<1x100000xf32, #tpu.memory_space<hbm>> -> memref<1x49920xf32, #tpu.memory_space<hbm>>
      %dma_start3A_36 = arith.constant 0 : i32
      %dma_start3A_37 = arith.constant 0 : i32
      %dma_start3A_38 = tpu.memref_slice %arg7[%dma_start3A_36, %dma_start3A_37] : memref<1x50048xf32, #tpu.memory_space<vmem>> -> memref<1x49920xf32, #tpu.memory_space<vmem>>
      %dma_start3A_39 = arith.constant 0 : i32
      %dma_start3A_40 = tpu.memref_slice %arg2[%add3A_5, %dma_start3A_39] : memref<64x100000xf32, #tpu.memory_space<hbm>> -> memref<1x100000xf32, #tpu.memory_space<hbm>>
      %dma_start3A_41 = arith.constant 0 : i32
      %dma_start3A_42 = arith.constant 50048 : i32
      %dma_start3A_43 = tpu.memref_slice %dma_start3A_40[%dma_start3A_41, %dma_start3A_42] : memref<1x100000xf32, #tpu.memory_space<hbm>> -> memref<1x49920xf32, #tpu.memory_space<hbm>>
      tpu.enqueue_dma source(%dma_start3A_43 : memref<1x49920xf32, #tpu.memory_space<hbm>>) target(%dma_start3A_38 : memref<1x49920xf32, #tpu.memory_space<vmem>>) target_semaphore(%run_scoped3A : memref<!tpu.dma_semaphore, #tpu.memory_space<semaphore_mem>>)
      %dma_wait3A = arith.constant 0 : i32
      %dma_wait3A_44 = arith.constant 0 : i32
      %dma_wait3A_45 = tpu.memref_slice %arg7[%dma_wait3A, %dma_wait3A_44] : memref<1x50048xf32, #tpu.memory_space<vmem>> -> memref<1x49920xf32, #tpu.memory_space<vmem>>
      %dma_wait3A_46 = arith.constant 0 : i32
      %dma_wait3A_47 = tpu.memref_slice %arg2[%add3A_5, %dma_wait3A_46] : memref<64x100000xf32, #tpu.memory_space<hbm>> -> memref<1x100000xf32, #tpu.memory_space<hbm>>
      %dma_wait3A_48 = arith.constant 0 : i32
      %dma_wait3A_49 = arith.constant 50048 : i32
      %dma_wait3A_50 = tpu.memref_slice %dma_wait3A_47[%dma_wait3A_48, %dma_wait3A_49] : memref<1x100000xf32, #tpu.memory_space<hbm>> -> memref<1x49920xf32, #tpu.memory_space<hbm>>
      %dma_wait3A_51 = arith.constant 0 : i32
      %dma_wait3A_52 = arith.constant 0 : i32
      %dma_wait3A_53 = tpu.memref_slice %arg7[%dma_wait3A_51, %dma_wait3A_52] : memref<1x50048xf32, #tpu.memory_space<vmem>> -> memref<1x49920xf32, #tpu.memory_space<vmem>>
      %dma_wait3A_54 = arith.constant 0 : i32
      %dma_wait3A_55 = tpu.memref_slice %arg2[%add3A_5, %dma_wait3A_54] : memref<64x100000xf32, #tpu.memory_space<hbm>> -> memref<1x100000xf32, #tpu.memory_space<hbm>>
      %dma_wait3A_56 = arith.constant 0 : i32
      %dma_wait3A_57 = arith.constant 50048 : i32
      %dma_wait3A_58 = tpu.memref_slice %dma_wait3A_55[%dma_wait3A_56, %dma_wait3A_57] : memref<1x100000xf32, #tpu.memory_space<hbm>> -> memref<1x49920xf32, #tpu.memory_space<hbm>>
      tpu.wait_dma2 semaphore(%run_scoped3A : memref<!tpu.dma_semaphore, #tpu.memory_space<semaphore_mem>>) src(%dma_wait3A_58 : memref<1x49920xf32, #tpu.memory_space<hbm>>) dst(%dma_wait3A_53 : memref<1x49920xf32, #tpu.memory_space<vmem>>)
      tpu.yield
    }) : () -> ()
    "tpu.region"() ({
      %run_scoped3A = tpu.sem_alloc : memref<!tpu.dma_semaphore, #tpu.memory_space<semaphore_mem>>
      %dma_start3A = arith.constant 0 : i32
      %dma_start3A_29 = arith.constant 49920 : i32
      %dma_start3A_30 = tpu.memref_slice %arg7[%dma_start3A, %dma_start3A_29] : memref<1x50048xf32, #tpu.memory_space<vmem>> -> memref<1x128xf32, #tpu.memory_space<vmem>>
      %dma_start3A_31 = arith.constant 0 : i32
      %dma_start3A_32 = tpu.memref_slice %arg3[%add3A_5, %dma_start3A_31] : memref<64x128xf32, #tpu.memory_space<hbm>> -> memref<1x128xf32, #tpu.memory_space<hbm>>
      %dma_start3A_33 = arith.constant 0 : i32
      %dma_start3A_34 = arith.constant 49920 : i32
      %dma_start3A_35 = tpu.memref_slice %arg7[%dma_start3A_33, %dma_start3A_34] : memref<1x50048xf32, #tpu.memory_space<vmem>> -> memref<1x128xf32, #tpu.memory_space<vmem>>
      %dma_start3A_36 = arith.constant 0 : i32
      %dma_start3A_37 = tpu.memref_slice %arg3[%add3A_5, %dma_start3A_36] : memref<64x128xf32, #tpu.memory_space<hbm>> -> memref<1x128xf32, #tpu.memory_space<hbm>>
      tpu.enqueue_dma source(%dma_start3A_37 : memref<1x128xf32, #tpu.memory_space<hbm>>) target(%dma_start3A_35 : memref<1x128xf32, #tpu.memory_space<vmem>>) target_semaphore(%run_scoped3A : memref<!tpu.dma_semaphore, #tpu.memory_space<semaphore_mem>>)
      %dma_wait3A = arith.constant 0 : i32
      %dma_wait3A_38 = arith.constant 49920 : i32
      %dma_wait3A_39 = tpu.memref_slice %arg7[%dma_wait3A, %dma_wait3A_38] : memref<1x50048xf32, #tpu.memory_space<vmem>> -> memref<1x128xf32, #tpu.memory_space<vmem>>
      %dma_wait3A_40 = arith.constant 0 : i32
      %dma_wait3A_41 = tpu.memref_slice %arg3[%add3A_5, %dma_wait3A_40] : memref<64x128xf32, #tpu.memory_space<hbm>> -> memref<1x128xf32, #tpu.memory_space<hbm>>
      %dma_wait3A_42 = arith.constant 0 : i32
      %dma_wait3A_43 = arith.constant 49920 : i32
      %dma_wait3A_44 = tpu.memref_slice %arg7[%dma_wait3A_42, %dma_wait3A_43] : memref<1x50048xf32, #tpu.memory_space<vmem>> -> memref<1x128xf32, #tpu.memory_space<vmem>>
      %dma_wait3A_45 = arith.constant 0 : i32
      %dma_wait3A_46 = tpu.memref_slice %arg3[%add3A_5, %dma_wait3A_45] : memref<64x128xf32, #tpu.memory_space<hbm>> -> memref<1x128xf32, #tpu.memory_space<hbm>>
      tpu.wait_dma2 semaphore(%run_scoped3A : memref<!tpu.dma_semaphore, #tpu.memory_space<semaphore_mem>>) src(%dma_wait3A_46 : memref<1x128xf32, #tpu.memory_space<hbm>>) dst(%dma_wait3A_44 : memref<1x128xf32, #tpu.memory_space<vmem>>)
      tpu.yield
    }) : () -> ()
    %scan3A_10 = arith.constant 0 : i32
    %scan3A_11 = arith.constant 64 : i32
    %scan3A_12 = arith.addi %scan3A_10, %scan3A_11 : i32
    %scan3A_13 = arith.constant 1 : i32
    scf.for %scan3A_29 = %scan3A_10 to %scan3A_12 step %scan3A_13  : i32 {
      %mul3A_30 = arith.constant 16 : i32
      %mul3A_31 = arith.muli %scan3A_29, %mul3A_30 : i32
      %add3A_32 = arith.constant 0 : i32
      %add3A_33 = arith.addi %mul3A_31, %add3A_32 : i32
      %mul3A_34 = arith.constant 16 : i32
      %mul3A_35 = arith.muli %add3A_33, %mul3A_34 : i32
      %mul3A_36 = arith.constant 16 : i32
      %mul3A_37 = arith.muli %scan3A_29, %mul3A_36 : i32
      %add3A_38 = arith.constant 1 : i32
      %add3A_39 = arith.addi %mul3A_37, %add3A_38 : i32
      %mul3A_40 = arith.constant 16 : i32
      %mul3A_41 = arith.muli %add3A_39, %mul3A_40 : i32
      %mul3A_42 = arith.constant 16 : i32
      %mul3A_43 = arith.muli %scan3A_29, %mul3A_42 : i32
      %add3A_44 = arith.constant 2 : i32
      %add3A_45 = arith.addi %mul3A_43, %add3A_44 : i32
      %mul3A_46 = arith.constant 16 : i32
      %mul3A_47 = arith.muli %add3A_45, %mul3A_46 : i32
      %mul3A_48 = arith.constant 16 : i32
      %mul3A_49 = arith.muli %scan3A_29, %mul3A_48 : i32
      %add3A_50 = arith.constant 3 : i32
      %add3A_51 = arith.addi %mul3A_49, %add3A_50 : i32
      %mul3A_52 = arith.constant 16 : i32
      %mul3A_53 = arith.muli %add3A_51, %mul3A_52 : i32
      %mul3A_54 = arith.constant 16 : i32
      %mul3A_55 = arith.muli %scan3A_29, %mul3A_54 : i32
      %add3A_56 = arith.constant 4 : i32
      %add3A_57 = arith.addi %mul3A_55, %add3A_56 : i32
      %mul3A_58 = arith.constant 16 : i32
      %mul3A_59 = arith.muli %add3A_57, %mul3A_58 : i32
      %mul3A_60 = arith.constant 16 : i32
      %mul3A_61 = arith.muli %scan3A_29, %mul3A_60 : i32
      %add3A_62 = arith.constant 5 : i32
      %add3A_63 = arith.addi %mul3A_61, %add3A_62 : i32
      %mul3A_64 = arith.constant 16 : i32
      %mul3A_65 = arith.muli %add3A_63, %mul3A_64 : i32
      %mul3A_66 = arith.constant 16 : i32
      %mul3A_67 = arith.muli %scan3A_29, %mul3A_66 : i32
      %add3A_68 = arith.constant 6 : i32
      %add3A_69 = arith.addi %mul3A_67, %add3A_68 : i32
      %mul3A_70 = arith.constant 16 : i32
      %mul3A_71 = arith.muli %add3A_69, %mul3A_70 : i32
      %mul3A_72 = arith.constant 16 : i32
      %mul3A_73 = arith.muli %scan3A_29, %mul3A_72 : i32
      %add3A_74 = arith.constant 7 : i32
      %add3A_75 = arith.addi %mul3A_73, %add3A_74 : i32
      %mul3A_76 = arith.constant 16 : i32
      %mul3A_77 = arith.muli %add3A_75, %mul3A_76 : i32
      %mul3A_78 = arith.constant 16 : i32
      %mul3A_79 = arith.muli %scan3A_29, %mul3A_78 : i32
      %add3A_80 = arith.constant 8 : i32
      %add3A_81 = arith.addi %mul3A_79, %add3A_80 : i32
      %mul3A_82 = arith.constant 16 : i32
      %mul3A_83 = arith.muli %add3A_81, %mul3A_82 : i32
      %mul3A_84 = arith.constant 16 : i32
      %mul3A_85 = arith.muli %scan3A_29, %mul3A_84 : i32
      %add3A_86 = arith.constant 9 : i32
      %add3A_87 = arith.addi %mul3A_85, %add3A_86 : i32
      %mul3A_88 = arith.constant 16 : i32
      %mul3A_89 = arith.muli %add3A_87, %mul3A_88 : i32
      %mul3A_90 = arith.constant 16 : i32
      %mul3A_91 = arith.muli %scan3A_29, %mul3A_90 : i32
      %add3A_92 = arith.constant 10 : i32
      %add3A_93 = arith.addi %mul3A_91, %add3A_92 : i32
      %mul3A_94 = arith.constant 16 : i32
      %mul3A_95 = arith.muli %add3A_93, %mul3A_94 : i32
      %mul3A_96 = arith.constant 16 : i32
      %mul3A_97 = arith.muli %scan3A_29, %mul3A_96 : i32
      %add3A_98 = arith.constant 11 : i32
      %add3A_99 = arith.addi %mul3A_97, %add3A_98 : i32
      %mul3A_100 = arith.constant 16 : i32
      %mul3A_101 = arith.muli %add3A_99, %mul3A_100 : i32
      %mul3A_102 = arith.constant 16 : i32
      %mul3A_103 = arith.muli %scan3A_29, %mul3A_102 : i32
      %add3A_104 = arith.constant 12 : i32
      %add3A_105 = arith.addi %mul3A_103, %add3A_104 : i32
      %mul3A_106 = arith.constant 16 : i32
      %mul3A_107 = arith.muli %add3A_105, %mul3A_106 : i32
      %mul3A_108 = arith.constant 16 : i32
      %mul3A_109 = arith.muli %scan3A_29, %mul3A_108 : i32
      %add3A_110 = arith.constant 13 : i32
      %add3A_111 = arith.addi %mul3A_109, %add3A_110 : i32
      %mul3A_112 = arith.constant 16 : i32
      %mul3A_113 = arith.muli %add3A_111, %mul3A_112 : i32
      %mul3A_114 = arith.constant 16 : i32
      %mul3A_115 = arith.muli %scan3A_29, %mul3A_114 : i32
      %add3A_116 = arith.constant 14 : i32
      %add3A_117 = arith.addi %mul3A_115, %add3A_116 : i32
      %mul3A_118 = arith.constant 16 : i32
      %mul3A_119 = arith.muli %add3A_117, %mul3A_118 : i32
      %mul3A_120 = arith.constant 16 : i32
      %mul3A_121 = arith.muli %scan3A_29, %mul3A_120 : i32
      %add3A_122 = arith.constant 15 : i32
      %add3A_123 = arith.addi %mul3A_121, %add3A_122 : i32
      %mul3A_124 = arith.constant 16 : i32
      %mul3A_125 = arith.muli %add3A_123, %mul3A_124 : i32
      %get3A = arith.index_cast %mul3A_35 : i32 to index
      %get3A_126 = tpu.vector_load %arg6[%get3A] {strides = array<i32>} : memref<16384xi32, #tpu.memory_space<vmem>>, vector<16xi32>,
      %sub3A = arith.constant 50048 : i32
      %sub3A_127 = vector.broadcast %sub3A : i32 to vector<16xi32>
      %sub3A_128 = arith.subi %get3A_126, %sub3A_127 : vector<16xi32>
      %get3A_129 = arith.index_cast %mul3A_41 : i32 to index
      %get3A_130 = tpu.vector_load %arg6[%get3A_129] {strides = array<i32>} : memref<16384xi32, #tpu.memory_space<vmem>>, vector<16xi32>,
      %sub3A_131 = arith.constant 50048 : i32
      %sub3A_132 = vector.broadcast %sub3A_131 : i32 to vector<16xi32>
      %sub3A_133 = arith.subi %get3A_130, %sub3A_132 : vector<16xi32>
      %get3A_134 = arith.index_cast %mul3A_47 : i32 to index
      %get3A_135 = tpu.vector_load %arg6[%get3A_134] {strides = array<i32>} : memref<16384xi32, #tpu.memory_space<vmem>>, vector<16xi32>,
      %sub3A_136 = arith.constant 50048 : i32
      %sub3A_137 = vector.broadcast %sub3A_136 : i32 to vector<16xi32>
      %sub3A_138 = arith.subi %get3A_135, %sub3A_137 : vector<16xi32>
      %get3A_139 = arith.index_cast %mul3A_53 : i32 to index
      %get3A_140 = tpu.vector_load %arg6[%get3A_139] {strides = array<i32>} : memref<16384xi32, #tpu.memory_space<vmem>>, vector<16xi32>,
      %sub3A_141 = arith.constant 50048 : i32
      %sub3A_142 = vector.broadcast %sub3A_141 : i32 to vector<16xi32>
      %sub3A_143 = arith.subi %get3A_140, %sub3A_142 : vector<16xi32>
      %get3A_144 = arith.index_cast %mul3A_59 : i32 to index
      %get3A_145 = tpu.vector_load %arg6[%get3A_144] {strides = array<i32>} : memref<16384xi32, #tpu.memory_space<vmem>>, vector<16xi32>,
      %sub3A_146 = arith.constant 50048 : i32
      %sub3A_147 = vector.broadcast %sub3A_146 : i32 to vector<16xi32>
      %sub3A_148 = arith.subi %get3A_145, %sub3A_147 : vector<16xi32>
      %get3A_149 = arith.index_cast %mul3A_65 : i32 to index
      %get3A_150 = tpu.vector_load %arg6[%get3A_149] {strides = array<i32>} : memref<16384xi32, #tpu.memory_space<vmem>>, vector<16xi32>,
      %sub3A_151 = arith.constant 50048 : i32
      %sub3A_152 = vector.broadcast %sub3A_151 : i32 to vector<16xi32>
      %sub3A_153 = arith.subi %get3A_150, %sub3A_152 : vector<16xi32>
      %get3A_154 = arith.index_cast %mul3A_71 : i32 to index
      %get3A_155 = tpu.vector_load %arg6[%get3A_154] {strides = array<i32>} : memref<16384xi32, #tpu.memory_space<vmem>>, vector<16xi32>,
      %sub3A_156 = arith.constant 50048 : i32
      %sub3A_157 = vector.broadcast %sub3A_156 : i32 to vector<16xi32>
      %sub3A_158 = arith.subi %get3A_155, %sub3A_157 : vector<16xi32>
      %get3A_159 = arith.index_cast %mul3A_77 : i32 to index
      %get3A_160 = tpu.vector_load %arg6[%get3A_159] {strides = array<i32>} : memref<16384xi32, #tpu.memory_space<vmem>>, vector<16xi32>,
      %sub3A_161 = arith.constant 50048 : i32
      %sub3A_162 = vector.broadcast %sub3A_161 : i32 to vector<16xi32>
      %sub3A_163 = arith.subi %get3A_160, %sub3A_162 : vector<16xi32>
      %get3A_164 = arith.index_cast %mul3A_83 : i32 to index
      %get3A_165 = tpu.vector_load %arg6[%get3A_164] {strides = array<i32>} : memref<16384xi32, #tpu.memory_space<vmem>>, vector<16xi32>,
      %sub3A_166 = arith.constant 50048 : i32
      %sub3A_167 = vector.broadcast %sub3A_166 : i32 to vector<16xi32>
      %sub3A_168 = arith.subi %get3A_165, %sub3A_167 : vector<16xi32>
      %get3A_169 = arith.index_cast %mul3A_89 : i32 to index
      %get3A_170 = tpu.vector_load %arg6[%get3A_169] {strides = array<i32>} : memref<16384xi32, #tpu.memory_space<vmem>>, vector<16xi32>,
      %sub3A_171 = arith.constant 50048 : i32
      %sub3A_172 = vector.broadcast %sub3A_171 : i32 to vector<16xi32>
      %sub3A_173 = arith.subi %get3A_170, %sub3A_172 : vector<16xi32>
      %get3A_174 = arith.index_cast %mul3A_95 : i32 to index
      %get3A_175 = tpu.vector_load %arg6[%get3A_174] {strides = array<i32>} : memref<16384xi32, #tpu.memory_space<vmem>>, vector<16xi32>,
      %sub3A_176 = arith.constant 50048 : i32
      %sub3A_177 = vector.broadcast %sub3A_176 : i32 to vector<16xi32>
      %sub3A_178 = arith.subi %get3A_175, %sub3A_177 : vector<16xi32>
      %get3A_179 = arith.index_cast %mul3A_101 : i32 to index
      %get3A_180 = tpu.vector_load %arg6[%get3A_179] {strides = array<i32>} : memref<16384xi32, #tpu.memory_space<vmem>>, vector<16xi32>,
      %sub3A_181 = arith.constant 50048 : i32
      %sub3A_182 = vector.broadcast %sub3A_181 : i32 to vector<16xi32>
      %sub3A_183 = arith.subi %get3A_180, %sub3A_182 : vector<16xi32>
      %get3A_184 = arith.index_cast %mul3A_107 : i32 to index
      %get3A_185 = tpu.vector_load %arg6[%get3A_184] {strides = array<i32>} : memref<16384xi32, #tpu.memory_space<vmem>>, vector<16xi32>,
      %sub3A_186 = arith.constant 50048 : i32
      %sub3A_187 = vector.broadcast %sub3A_186 : i32 to vector<16xi32>
      %sub3A_188 = arith.subi %get3A_185, %sub3A_187 : vector<16xi32>
      %get3A_189 = arith.index_cast %mul3A_113 : i32 to index
      %get3A_190 = tpu.vector_load %arg6[%get3A_189] {strides = array<i32>} : memref<16384xi32, #tpu.memory_space<vmem>>, vector<16xi32>,
      %sub3A_191 = arith.constant 50048 : i32
      %sub3A_192 = vector.broadcast %sub3A_191 : i32 to vector<16xi32>
      %sub3A_193 = arith.subi %get3A_190, %sub3A_192 : vector<16xi32>
      %get3A_194 = arith.index_cast %mul3A_119 : i32 to index
      %get3A_195 = tpu.vector_load %arg6[%get3A_194] {strides = array<i32>} : memref<16384xi32, #tpu.memory_space<vmem>>, vector<16xi32>,
      %sub3A_196 = arith.constant 50048 : i32
      %sub3A_197 = vector.broadcast %sub3A_196 : i32 to vector<16xi32>
      %sub3A_198 = arith.subi %get3A_195, %sub3A_197 : vector<16xi32>
      %get3A_199 = arith.index_cast %mul3A_125 : i32 to index
      %get3A_200 = tpu.vector_load %arg6[%get3A_199] {strides = array<i32>} : memref<16384xi32, #tpu.memory_space<vmem>>, vector<16xi32>,
      %sub3A_201 = arith.constant 50048 : i32
      %sub3A_202 = vector.broadcast %sub3A_201 : i32 to vector<16xi32>
      %sub3A_203 = arith.subi %get3A_200, %sub3A_202 : vector<16xi32>
      %ge3A = arith.constant 0 : i32
      %ge3A_204 = vector.broadcast %ge3A : i32 to vector<16xi32>
      %ge3A_205 = arith.cmpi sge, %sub3A_128, %ge3A_204 : vector<16xi32>
      %ge3A_206 = arith.constant 0 : i32
      %ge3A_207 = vector.broadcast %ge3A_206 : i32 to vector<16xi32>
      %ge3A_208 = arith.cmpi sge, %sub3A_133, %ge3A_207 : vector<16xi32>
      %ge3A_209 = arith.constant 0 : i32
      %ge3A_210 = vector.broadcast %ge3A_209 : i32 to vector<16xi32>
      %ge3A_211 = arith.cmpi sge, %sub3A_138, %ge3A_210 : vector<16xi32>
      %ge3A_212 = arith.constant 0 : i32
      %ge3A_213 = vector.broadcast %ge3A_212 : i32 to vector<16xi32>
      %ge3A_214 = arith.cmpi sge, %sub3A_143, %ge3A_213 : vector<16xi32>
      %ge3A_215 = arith.constant 0 : i32
      %ge3A_216 = vector.broadcast %ge3A_215 : i32 to vector<16xi32>
      %ge3A_217 = arith.cmpi sge, %sub3A_148, %ge3A_216 : vector<16xi32>
      %ge3A_218 = arith.constant 0 : i32
      %ge3A_219 = vector.broadcast %ge3A_218 : i32 to vector<16xi32>
      %ge3A_220 = arith.cmpi sge, %sub3A_153, %ge3A_219 : vector<16xi32>
      %ge3A_221 = arith.constant 0 : i32
      %ge3A_222 = vector.broadcast %ge3A_221 : i32 to vector<16xi32>
      %ge3A_223 = arith.cmpi sge, %sub3A_158, %ge3A_222 : vector<16xi32>
      %ge3A_224 = arith.constant 0 : i32
      %ge3A_225 = vector.broadcast %ge3A_224 : i32 to vector<16xi32>
      %ge3A_226 = arith.cmpi sge, %sub3A_163, %ge3A_225 : vector<16xi32>
      %ge3A_227 = arith.constant 0 : i32
      %ge3A_228 = vector.broadcast %ge3A_227 : i32 to vector<16xi32>
      %ge3A_229 = arith.cmpi sge, %sub3A_168, %ge3A_228 : vector<16xi32>
      %ge3A_230 = arith.constant 0 : i32
      %ge3A_231 = vector.broadcast %ge3A_230 : i32 to vector<16xi32>
      %ge3A_232 = arith.cmpi sge, %sub3A_173, %ge3A_231 : vector<16xi32>
      %ge3A_233 = arith.constant 0 : i32
      %ge3A_234 = vector.broadcast %ge3A_233 : i32 to vector<16xi32>
      %ge3A_235 = arith.cmpi sge, %sub3A_178, %ge3A_234 : vector<16xi32>
      %ge3A_236 = arith.constant 0 : i32
      %ge3A_237 = vector.broadcast %ge3A_236 : i32 to vector<16xi32>
      %ge3A_238 = arith.cmpi sge, %sub3A_183, %ge3A_237 : vector<16xi32>
      %ge3A_239 = arith.constant 0 : i32
      %ge3A_240 = vector.broadcast %ge3A_239 : i32 to vector<16xi32>
      %ge3A_241 = arith.cmpi sge, %sub3A_188, %ge3A_240 : vector<16xi32>
      %ge3A_242 = arith.constant 0 : i32
      %ge3A_243 = vector.broadcast %ge3A_242 : i32 to vector<16xi32>
      %ge3A_244 = arith.cmpi sge, %sub3A_193, %ge3A_243 : vector<16xi32>
      %ge3A_245 = arith.constant 0 : i32
      %ge3A_246 = vector.broadcast %ge3A_245 : i32 to vector<16xi32>
      %ge3A_247 = arith.cmpi sge, %sub3A_198, %ge3A_246 : vector<16xi32>
      %ge3A_248 = arith.constant 0 : i32
      %ge3A_249 = vector.broadcast %ge3A_248 : i32 to vector<16xi32>
      %ge3A_250 = arith.cmpi sge, %sub3A_203, %ge3A_249 : vector<16xi32>
      %gather3A = tpu.vector_load_idx %arg7[%broadcast_in_dim3A_1, %sub3A_128] masked %ge3A_205 : memref<1x50048xf32, #tpu.memory_space<vmem>>[vector<16xi32>, vector<16xi32>], vector<16xf32>, vector<16xi1>
      %gather3A_251 = tpu.vector_load_idx %arg7[%broadcast_in_dim3A_1, %sub3A_133] masked %ge3A_208 : memref<1x50048xf32, #tpu.memory_space<vmem>>[vector<16xi32>, vector<16xi32>], vector<16xf32>, vector<16xi1>
      %gather3A_252 = tpu.vector_load_idx %arg7[%broadcast_in_dim3A_1, %sub3A_138] masked %ge3A_211 : memref<1x50048xf32, #tpu.memory_space<vmem>>[vector<16xi32>, vector<16xi32>], vector<16xf32>, vector<16xi1>
      %gather3A_253 = tpu.vector_load_idx %arg7[%broadcast_in_dim3A_1, %sub3A_143] masked %ge3A_214 : memref<1x50048xf32, #tpu.memory_space<vmem>>[vector<16xi32>, vector<16xi32>], vector<16xf32>, vector<16xi1>
      %gather3A_254 = tpu.vector_load_idx %arg7[%broadcast_in_dim3A_1, %sub3A_148] masked %ge3A_217 : memref<1x50048xf32, #tpu.memory_space<vmem>>[vector<16xi32>, vector<16xi32>], vector<16xf32>, vector<16xi1>
      %gather3A_255 = tpu.vector_load_idx %arg7[%broadcast_in_dim3A_1, %sub3A_153] masked %ge3A_220 : memref<1x50048xf32, #tpu.memory_space<vmem>>[vector<16xi32>, vector<16xi32>], vector<16xf32>, vector<16xi1>
      %gather3A_256 = tpu.vector_load_idx %arg7[%broadcast_in_dim3A_1, %sub3A_158] masked %ge3A_223 : memref<1x50048xf32, #tpu.memory_space<vmem>>[vector<16xi32>, vector<16xi32>], vector<16xf32>, vector<16xi1>
      %gather3A_257 = tpu.vector_load_idx %arg7[%broadcast_in_dim3A_1, %sub3A_163] masked %ge3A_226 : memref<1x50048xf32, #tpu.memory_space<vmem>>[vector<16xi32>, vector<16xi32>], vector<16xf32>, vector<16xi1>
      %gather3A_258 = tpu.vector_load_idx %arg7[%broadcast_in_dim3A_1, %sub3A_168] masked %ge3A_229 : memref<1x50048xf32, #tpu.memory_space<vmem>>[vector<16xi32>, vector<16xi32>], vector<16xf32>, vector<16xi1>
      %gather3A_259 = tpu.vector_load_idx %arg7[%broadcast_in_dim3A_1, %sub3A_173] masked %ge3A_232 : memref<1x50048xf32, #tpu.memory_space<vmem>>[vector<16xi32>, vector<16xi32>], vector<16xf32>, vector<16xi1>
      %gather3A_260 = tpu.vector_load_idx %arg7[%broadcast_in_dim3A_1, %sub3A_178] masked %ge3A_235 : memref<1x50048xf32, #tpu.memory_space<vmem>>[vector<16xi32>, vector<16xi32>], vector<16xf32>, vector<16xi1>
      %gather3A_261 = tpu.vector_load_idx %arg7[%broadcast_in_dim3A_1, %sub3A_183] masked %ge3A_238 : memref<1x50048xf32, #tpu.memory_space<vmem>>[vector<16xi32>, vector<16xi32>], vector<16xf32>, vector<16xi1>
      %gather3A_262 = tpu.vector_load_idx %arg7[%broadcast_in_dim3A_1, %sub3A_188] masked %ge3A_241 : memref<1x50048xf32, #tpu.memory_space<vmem>>[vector<16xi32>, vector<16xi32>], vector<16xf32>, vector<16xi1>
      %gather3A_263 = tpu.vector_load_idx %arg7[%broadcast_in_dim3A_1, %sub3A_193] masked %ge3A_244 : memref<1x50048xf32, #tpu.memory_space<vmem>>[vector<16xi32>, vector<16xi32>], vector<16xf32>, vector<16xi1>
      %gather3A_264 = tpu.vector_load_idx %arg7[%broadcast_in_dim3A_1, %sub3A_198] masked %ge3A_247 : memref<1x50048xf32, #tpu.memory_space<vmem>>[vector<16xi32>, vector<16xi32>], vector<16xf32>, vector<16xi1>
      %gather3A_265 = tpu.vector_load_idx %arg7[%broadcast_in_dim3A_1, %sub3A_203] masked %ge3A_250 : memref<1x50048xf32, #tpu.memory_space<vmem>>[vector<16xi32>, vector<16xi32>], vector<16xf32>, vector<16xi1>
      %add3A_266 = vector.broadcast %mul3A_35 : i32 to vector<16xi32>
      %add3A_267 = arith.addi %iota3A, %add3A_266 : vector<16xi32>
      tpu.vector_store_idx %arg8[%broadcast_in_dim3A_1, %add3A_267], %gather3A masked %ge3A_205 : memref<1x16384xf32, #tpu.memory_space<vmem>>[vector<16xi32>, vector<16xi32>], vector<16xf32>, vector<16xi1>
      %add3A_268 = vector.broadcast %mul3A_41 : i32 to vector<16xi32>
      %add3A_269 = arith.addi %iota3A, %add3A_268 : vector<16xi32>
      tpu.vector_store_idx %arg8[%broadcast_in_dim3A_1, %add3A_269], %gather3A_251 masked %ge3A_208 : memref<1x16384xf32, #tpu.memory_space<vmem>>[vector<16xi32>, vector<16xi32>], vector<16xf32>, vector<16xi1>
      %add3A_270 = vector.broadcast %mul3A_47 : i32 to vector<16xi32>
      %add3A_271 = arith.addi %iota3A, %add3A_270 : vector<16xi32>
      tpu.vector_store_idx %arg8[%broadcast_in_dim3A_1, %add3A_271], %gather3A_252 masked %ge3A_211 : memref<1x16384xf32, #tpu.memory_space<vmem>>[vector<16xi32>, vector<16xi32>], vector<16xf32>, vector<16xi1>
      %add3A_272 = vector.broadcast %mul3A_53 : i32 to vector<16xi32>
      %add3A_273 = arith.addi %iota3A, %add3A_272 : vector<16xi32>
      tpu.vector_store_idx %arg8[%broadcast_in_dim3A_1, %add3A_273], %gather3A_253 masked %ge3A_214 : memref<1x16384xf32, #tpu.memory_space<vmem>>[vector<16xi32>, vector<16xi32>], vector<16xf32>, vector<16xi1>
      %add3A_274 = vector.broadcast %mul3A_59 : i32 to vector<16xi32>
      %add3A_275 = arith.addi %iota3A, %add3A_274 : vector<16xi32>
      tpu.vector_store_idx %arg8[%broadcast_in_dim3A_1, %add3A_275], %gather3A_254 masked %ge3A_217 : memref<1x16384xf32, #tpu.memory_space<vmem>>[vector<16xi32>, vector<16xi32>], vector<16xf32>, vector<16xi1>
      %add3A_276 = vector.broadcast %mul3A_65 : i32 to vector<16xi32>
      %add3A_277 = arith.addi %iota3A, %add3A_276 : vector<16xi32>
      tpu.vector_store_idx %arg8[%broadcast_in_dim3A_1, %add3A_277], %gather3A_255 masked %ge3A_220 : memref<1x16384xf32, #tpu.memory_space<vmem>>[vector<16xi32>, vector<16xi32>], vector<16xf32>, vector<16xi1>
      %add3A_278 = vector.broadcast %mul3A_71 : i32 to vector<16xi32>
      %add3A_279 = arith.addi %iota3A, %add3A_278 : vector<16xi32>
      tpu.vector_store_idx %arg8[%broadcast_in_dim3A_1, %add3A_279], %gather3A_256 masked %ge3A_223 : memref<1x16384xf32, #tpu.memory_space<vmem>>[vector<16xi32>, vector<16xi32>], vector<16xf32>, vector<16xi1>
      %add3A_280 = vector.broadcast %mul3A_77 : i32 to vector<16xi32>
      %add3A_281 = arith.addi %iota3A, %add3A_280 : vector<16xi32>
      tpu.vector_store_idx %arg8[%broadcast_in_dim3A_1, %add3A_281], %gather3A_257 masked %ge3A_226 : memref<1x16384xf32, #tpu.memory_space<vmem>>[vector<16xi32>, vector<16xi32>], vector<16xf32>, vector<16xi1>
      %add3A_282 = vector.broadcast %mul3A_83 : i32 to vector<16xi32>
      %add3A_283 = arith.addi %iota3A, %add3A_282 : vector<16xi32>
      tpu.vector_store_idx %arg8[%broadcast_in_dim3A_1, %add3A_283], %gather3A_258 masked %ge3A_229 : memref<1x16384xf32, #tpu.memory_space<vmem>>[vector<16xi32>, vector<16xi32>], vector<16xf32>, vector<16xi1>
      %add3A_284 = vector.broadcast %mul3A_89 : i32 to vector<16xi32>
      %add3A_285 = arith.addi %iota3A, %add3A_284 : vector<16xi32>
      tpu.vector_store_idx %arg8[%broadcast_in_dim3A_1, %add3A_285], %gather3A_259 masked %ge3A_232 : memref<1x16384xf32, #tpu.memory_space<vmem>>[vector<16xi32>, vector<16xi32>], vector<16xf32>, vector<16xi1>
      %add3A_286 = vector.broadcast %mul3A_95 : i32 to vector<16xi32>
      %add3A_287 = arith.addi %iota3A, %add3A_286 : vector<16xi32>
      tpu.vector_store_idx %arg8[%broadcast_in_dim3A_1, %add3A_287], %gather3A_260 masked %ge3A_235 : memref<1x16384xf32, #tpu.memory_space<vmem>>[vector<16xi32>, vector<16xi32>], vector<16xf32>, vector<16xi1>
      %add3A_288 = vector.broadcast %mul3A_101 : i32 to vector<16xi32>
      %add3A_289 = arith.addi %iota3A, %add3A_288 : vector<16xi32>
      tpu.vector_store_idx %arg8[%broadcast_in_dim3A_1, %add3A_289], %gather3A_261 masked %ge3A_238 : memref<1x16384xf32, #tpu.memory_space<vmem>>[vector<16xi32>, vector<16xi32>], vector<16xf32>, vector<16xi1>
      %add3A_290 = vector.broadcast %mul3A_107 : i32 to vector<16xi32>
      %add3A_291 = arith.addi %iota3A, %add3A_290 : vector<16xi32>
      tpu.vector_store_idx %arg8[%broadcast_in_dim3A_1, %add3A_291], %gather3A_262 masked %ge3A_241 : memref<1x16384xf32, #tpu.memory_space<vmem>>[vector<16xi32>, vector<16xi32>], vector<16xf32>, vector<16xi1>
      %add3A_292 = vector.broadcast %mul3A_113 : i32 to vector<16xi32>
      %add3A_293 = arith.addi %iota3A, %add3A_292 : vector<16xi32>
      tpu.vector_store_idx %arg8[%broadcast_in_dim3A_1, %add3A_293], %gather3A_263 masked %ge3A_244 : memref<1x16384xf32, #tpu.memory_space<vmem>>[vector<16xi32>, vector<16xi32>], vector<16xf32>, vector<16xi1>
      %add3A_294 = vector.broadcast %mul3A_119 : i32 to vector<16xi32>
      %add3A_295 = arith.addi %iota3A, %add3A_294 : vector<16xi32>
      tpu.vector_store_idx %arg8[%broadcast_in_dim3A_1, %add3A_295], %gather3A_264 masked %ge3A_247 : memref<1x16384xf32, #tpu.memory_space<vmem>>[vector<16xi32>, vector<16xi32>], vector<16xf32>, vector<16xi1>
      %add3A_296 = vector.broadcast %mul3A_125 : i32 to vector<16xi32>
      %add3A_297 = arith.addi %iota3A, %add3A_296 : vector<16xi32>
      tpu.vector_store_idx %arg8[%broadcast_in_dim3A_1, %add3A_297], %gather3A_265 masked %ge3A_250 : memref<1x16384xf32, #tpu.memory_space<vmem>>[vector<16xi32>, vector<16xi32>], vector<16xf32>, vector<16xi1>
    }
    %scan3A_14 = arith.constant 64 : i32
    "tpu.region"() ({
      %run_scoped3A = tpu.sem_alloc : memref<!tpu.dma_semaphore, #tpu.memory_space<semaphore_mem>>
      %dma_start3A = arith.constant 0 : i32
      %dma_start3A_29 = tpu.memref_slice %arg5[%add3A_5, %dma_start3A] : memref<64x16384xf32, #tpu.memory_space<hbm>> -> memref<1x16384xf32, #tpu.memory_space<hbm>>
      %dma_start3A_30 = arith.constant 0 : i32
      %dma_start3A_31 = tpu.memref_slice %arg5[%add3A_5, %dma_start3A_30] : memref<64x16384xf32, #tpu.memory_space<hbm>> -> memref<1x16384xf32, #tpu.memory_space<hbm>>
      tpu.enqueue_dma source(%arg8 : memref<1x16384xf32, #tpu.memory_space<vmem>>) target(%dma_start3A_31 : memref<1x16384xf32, #tpu.memory_space<hbm>>) target_semaphore(%run_scoped3A : memref<!tpu.dma_semaphore, #tpu.memory_space<semaphore_mem>>)
      %dma_wait3A = arith.constant 0 : i32
      %dma_wait3A_32 = tpu.memref_slice %arg5[%add3A_5, %dma_wait3A] : memref<64x16384xf32, #tpu.memory_space<hbm>> -> memref<1x16384xf32, #tpu.memory_space<hbm>>
      %dma_wait3A_33 = arith.constant 0 : i32
      %dma_wait3A_34 = tpu.memref_slice %arg5[%add3A_5, %dma_wait3A_33] : memref<64x16384xf32, #tpu.memory_space<hbm>> -> memref<1x16384xf32, #tpu.memory_space<hbm>>
      tpu.wait_dma2 semaphore(%run_scoped3A : memref<!tpu.dma_semaphore, #tpu.memory_space<semaphore_mem>>) src(%arg8 : memref<1x16384xf32, #tpu.memory_space<vmem>>) dst(%dma_wait3A_34 : memref<1x16384xf32, #tpu.memory_space<hbm>>)
      tpu.yield
    }) : () -> ()
    %mul3A_15 = arith.constant 2 : i32
    %mul3A_16 = arith.muli %add3A, %mul3A_15 : i32
    %add3A_17 = arith.constant 1 : i32
    %add3A_18 = arith.addi %mul3A_16, %add3A_17 : i32
    "tpu.region"() ({
      %run_scoped3A = tpu.sem_alloc : memref<!tpu.dma_semaphore, #tpu.memory_space<semaphore_mem>>
      %dma_start3A = arith.constant 0 : i32
      %dma_start3A_29 = tpu.memref_slice %arg2[%add3A_18, %dma_start3A] : memref<64x100000xf32, #tpu.memory_space<hbm>> -> memref<1x100000xf32, #tpu.memory_space<hbm>>
      %dma_start3A_30 = arith.constant 0 : i32
      %dma_start3A_31 = arith.constant 0 : i32
      %dma_start3A_32 = tpu.memref_slice %dma_start3A_29[%dma_start3A_30, %dma_start3A_31] : memref<1x100000xf32, #tpu.memory_space<hbm>> -> memref<1x50048xf32, #tpu.memory_space<hbm>>
      %dma_start3A_33 = arith.constant 0 : i32
      %dma_start3A_34 = tpu.memref_slice %arg2[%add3A_18, %dma_start3A_33] : memref<64x100000xf32, #tpu.memory_space<hbm>> -> memref<1x100000xf32, #tpu.memory_space<hbm>>
      %dma_start3A_35 = arith.constant 0 : i32
      %dma_start3A_36 = arith.constant 0 : i32
      %dma_start3A_37 = tpu.memref_slice %dma_start3A_34[%dma_start3A_35, %dma_start3A_36] : memref<1x100000xf32, #tpu.memory_space<hbm>> -> memref<1x50048xf32, #tpu.memory_space<hbm>>
      tpu.enqueue_dma source(%dma_start3A_37 : memref<1x50048xf32, #tpu.memory_space<hbm>>) target(%arg7 : memref<1x50048xf32, #tpu.memory_space<vmem>>) target_semaphore(%run_scoped3A : memref<!tpu.dma_semaphore, #tpu.memory_space<semaphore_mem>>)
      %dma_wait3A = arith.constant 0 : i32
      %dma_wait3A_38 = tpu.memref_slice %arg2[%add3A_18, %dma_wait3A] : memref<64x100000xf32, #tpu.memory_space<hbm>> -> memref<1x100000xf32, #tpu.memory_space<hbm>>
      %dma_wait3A_39 = arith.constant 0 : i32
      %dma_wait3A_40 = arith.constant 0 : i32
      %dma_wait3A_41 = tpu.memref_slice %dma_wait3A_38[%dma_wait3A_39, %dma_wait3A_40] : memref<1x100000xf32, #tpu.memory_space<hbm>> -> memref<1x50048xf32, #tpu.memory_space<hbm>>
      %dma_wait3A_42 = arith.constant 0 : i32
      %dma_wait3A_43 = tpu.memref_slice %arg2[%add3A_18, %dma_wait3A_42] : memref<64x100000xf32, #tpu.memory_space<hbm>> -> memref<1x100000xf32, #tpu.memory_space<hbm>>
      %dma_wait3A_44 = arith.constant 0 : i32
      %dma_wait3A_45 = arith.constant 0 : i32
      %dma_wait3A_46 = tpu.memref_slice %dma_wait3A_43[%dma_wait3A_44, %dma_wait3A_45] : memref<1x100000xf32, #tpu.memory_space<hbm>> -> memref<1x50048xf32, #tpu.memory_space<hbm>>
      tpu.wait_dma2 semaphore(%run_scoped3A : memref<!tpu.dma_semaphore, #tpu.memory_space<semaphore_mem>>) src(%dma_wait3A_46 : memref<1x50048xf32, #tpu.memory_space<hbm>>) dst(%arg7 : memref<1x50048xf32, #tpu.memory_space<vmem>>)
      tpu.yield
    }) : () -> ()
    %scan3A_19 = arith.constant 0 : i32
    %scan3A_20 = arith.constant 64 : i32
    %scan3A_21 = arith.addi %scan3A_19, %scan3A_20 : i32
    %scan3A_22 = arith.constant 1 : i32
    scf.for %scan3A_29 = %scan3A_19 to %scan3A_21 step %scan3A_22  : i32 {
      %mul3A_30 = arith.constant 16 : i32
      %mul3A_31 = arith.muli %scan3A_29, %mul3A_30 : i32
      %add3A_32 = arith.constant 0 : i32
      %add3A_33 = arith.addi %mul3A_31, %add3A_32 : i32
      %mul3A_34 = arith.constant 16 : i32
      %mul3A_35 = arith.muli %add3A_33, %mul3A_34 : i32
      %mul3A_36 = arith.constant 16 : i32
      %mul3A_37 = arith.muli %scan3A_29, %mul3A_36 : i32
      %add3A_38 = arith.constant 1 : i32
      %add3A_39 = arith.addi %mul3A_37, %add3A_38 : i32
      %mul3A_40 = arith.constant 16 : i32
      %mul3A_41 = arith.muli %add3A_39, %mul3A_40 : i32
      %mul3A_42 = arith.constant 16 : i32
      %mul3A_43 = arith.muli %scan3A_29, %mul3A_42 : i32
      %add3A_44 = arith.constant 2 : i32
      %add3A_45 = arith.addi %mul3A_43, %add3A_44 : i32
      %mul3A_46 = arith.constant 16 : i32
      %mul3A_47 = arith.muli %add3A_45, %mul3A_46 : i32
      %mul3A_48 = arith.constant 16 : i32
      %mul3A_49 = arith.muli %scan3A_29, %mul3A_48 : i32
      %add3A_50 = arith.constant 3 : i32
      %add3A_51 = arith.addi %mul3A_49, %add3A_50 : i32
      %mul3A_52 = arith.constant 16 : i32
      %mul3A_53 = arith.muli %add3A_51, %mul3A_52 : i32
      %mul3A_54 = arith.constant 16 : i32
      %mul3A_55 = arith.muli %scan3A_29, %mul3A_54 : i32
      %add3A_56 = arith.constant 4 : i32
      %add3A_57 = arith.addi %mul3A_55, %add3A_56 : i32
      %mul3A_58 = arith.constant 16 : i32
      %mul3A_59 = arith.muli %add3A_57, %mul3A_58 : i32
      %mul3A_60 = arith.constant 16 : i32
      %mul3A_61 = arith.muli %scan3A_29, %mul3A_60 : i32
      %add3A_62 = arith.constant 5 : i32
      %add3A_63 = arith.addi %mul3A_61, %add3A_62 : i32
      %mul3A_64 = arith.constant 16 : i32
      %mul3A_65 = arith.muli %add3A_63, %mul3A_64 : i32
      %mul3A_66 = arith.constant 16 : i32
      %mul3A_67 = arith.muli %scan3A_29, %mul3A_66 : i32
      %add3A_68 = arith.constant 6 : i32
      %add3A_69 = arith.addi %mul3A_67, %add3A_68 : i32
      %mul3A_70 = arith.constant 16 : i32
      %mul3A_71 = arith.muli %add3A_69, %mul3A_70 : i32
      %mul3A_72 = arith.constant 16 : i32
      %mul3A_73 = arith.muli %scan3A_29, %mul3A_72 : i32
      %add3A_74 = arith.constant 7 : i32
      %add3A_75 = arith.addi %mul3A_73, %add3A_74 : i32
      %mul3A_76 = arith.constant 16 : i32
      %mul3A_77 = arith.muli %add3A_75, %mul3A_76 : i32
      %mul3A_78 = arith.constant 16 : i32
      %mul3A_79 = arith.muli %scan3A_29, %mul3A_78 : i32
      %add3A_80 = arith.constant 8 : i32
      %add3A_81 = arith.addi %mul3A_79, %add3A_80 : i32
      %mul3A_82 = arith.constant 16 : i32
      %mul3A_83 = arith.muli %add3A_81, %mul3A_82 : i32
      %mul3A_84 = arith.constant 16 : i32
      %mul3A_85 = arith.muli %scan3A_29, %mul3A_84 : i32
      %add3A_86 = arith.constant 9 : i32
      %add3A_87 = arith.addi %mul3A_85, %add3A_86 : i32
      %mul3A_88 = arith.constant 16 : i32
      %mul3A_89 = arith.muli %add3A_87, %mul3A_88 : i32
      %mul3A_90 = arith.constant 16 : i32
      %mul3A_91 = arith.muli %scan3A_29, %mul3A_90 : i32
      %add3A_92 = arith.constant 10 : i32
      %add3A_93 = arith.addi %mul3A_91, %add3A_92 : i32
      %mul3A_94 = arith.constant 16 : i32
      %mul3A_95 = arith.muli %add3A_93, %mul3A_94 : i32
      %mul3A_96 = arith.constant 16 : i32
      %mul3A_97 = arith.muli %scan3A_29, %mul3A_96 : i32
      %add3A_98 = arith.constant 11 : i32
      %add3A_99 = arith.addi %mul3A_97, %add3A_98 : i32
      %mul3A_100 = arith.constant 16 : i32
      %mul3A_101 = arith.muli %add3A_99, %mul3A_100 : i32
      %mul3A_102 = arith.constant 16 : i32
      %mul3A_103 = arith.muli %scan3A_29, %mul3A_102 : i32
      %add3A_104 = arith.constant 12 : i32
      %add3A_105 = arith.addi %mul3A_103, %add3A_104 : i32
      %mul3A_106 = arith.constant 16 : i32
      %mul3A_107 = arith.muli %add3A_105, %mul3A_106 : i32
      %mul3A_108 = arith.constant 16 : i32
      %mul3A_109 = arith.muli %scan3A_29, %mul3A_108 : i32
      %add3A_110 = arith.constant 13 : i32
      %add3A_111 = arith.addi %mul3A_109, %add3A_110 : i32
      %mul3A_112 = arith.constant 16 : i32
      %mul3A_113 = arith.muli %add3A_111, %mul3A_112 : i32
      %mul3A_114 = arith.constant 16 : i32
      %mul3A_115 = arith.muli %scan3A_29, %mul3A_114 : i32
      %add3A_116 = arith.constant 14 : i32
      %add3A_117 = arith.addi %mul3A_115, %add3A_116 : i32
      %mul3A_118 = arith.constant 16 : i32
      %mul3A_119 = arith.muli %add3A_117, %mul3A_118 : i32
      %mul3A_120 = arith.constant 16 : i32
      %mul3A_121 = arith.muli %scan3A_29, %mul3A_120 : i32
      %add3A_122 = arith.constant 15 : i32
      %add3A_123 = arith.addi %mul3A_121, %add3A_122 : i32
      %mul3A_124 = arith.constant 16 : i32
      %mul3A_125 = arith.muli %add3A_123, %mul3A_124 : i32
      %get3A = arith.index_cast %mul3A_35 : i32 to index
      %get3A_126 = tpu.vector_load %arg6[%get3A] {strides = array<i32>} : memref<16384xi32, #tpu.memory_space<vmem>>, vector<16xi32>,
      %sub3A = arith.constant 0 : i32
      %sub3A_127 = vector.broadcast %sub3A : i32 to vector<16xi32>
      %sub3A_128 = arith.subi %get3A_126, %sub3A_127 : vector<16xi32>
      %get3A_129 = arith.index_cast %mul3A_41 : i32 to index
      %get3A_130 = tpu.vector_load %arg6[%get3A_129] {strides = array<i32>} : memref<16384xi32, #tpu.memory_space<vmem>>, vector<16xi32>,
      %sub3A_131 = arith.constant 0 : i32
      %sub3A_132 = vector.broadcast %sub3A_131 : i32 to vector<16xi32>
      %sub3A_133 = arith.subi %get3A_130, %sub3A_132 : vector<16xi32>
      %get3A_134 = arith.index_cast %mul3A_47 : i32 to index
      %get3A_135 = tpu.vector_load %arg6[%get3A_134] {strides = array<i32>} : memref<16384xi32, #tpu.memory_space<vmem>>, vector<16xi32>,
      %sub3A_136 = arith.constant 0 : i32
      %sub3A_137 = vector.broadcast %sub3A_136 : i32 to vector<16xi32>
      %sub3A_138 = arith.subi %get3A_135, %sub3A_137 : vector<16xi32>
      %get3A_139 = arith.index_cast %mul3A_53 : i32 to index
      %get3A_140 = tpu.vector_load %arg6[%get3A_139] {strides = array<i32>} : memref<16384xi32, #tpu.memory_space<vmem>>, vector<16xi32>,
      %sub3A_141 = arith.constant 0 : i32
      %sub3A_142 = vector.broadcast %sub3A_141 : i32 to vector<16xi32>
      %sub3A_143 = arith.subi %get3A_140, %sub3A_142 : vector<16xi32>
      %get3A_144 = arith.index_cast %mul3A_59 : i32 to index
      %get3A_145 = tpu.vector_load %arg6[%get3A_144] {strides = array<i32>} : memref<16384xi32, #tpu.memory_space<vmem>>, vector<16xi32>,
      %sub3A_146 = arith.constant 0 : i32
      %sub3A_147 = vector.broadcast %sub3A_146 : i32 to vector<16xi32>
      %sub3A_148 = arith.subi %get3A_145, %sub3A_147 : vector<16xi32>
      %get3A_149 = arith.index_cast %mul3A_65 : i32 to index
      %get3A_150 = tpu.vector_load %arg6[%get3A_149] {strides = array<i32>} : memref<16384xi32, #tpu.memory_space<vmem>>, vector<16xi32>,
      %sub3A_151 = arith.constant 0 : i32
      %sub3A_152 = vector.broadcast %sub3A_151 : i32 to vector<16xi32>
      %sub3A_153 = arith.subi %get3A_150, %sub3A_152 : vector<16xi32>
      %get3A_154 = arith.index_cast %mul3A_71 : i32 to index
      %get3A_155 = tpu.vector_load %arg6[%get3A_154] {strides = array<i32>} : memref<16384xi32, #tpu.memory_space<vmem>>, vector<16xi32>,
      %sub3A_156 = arith.constant 0 : i32
      %sub3A_157 = vector.broadcast %sub3A_156 : i32 to vector<16xi32>
      %sub3A_158 = arith.subi %get3A_155, %sub3A_157 : vector<16xi32>
      %get3A_159 = arith.index_cast %mul3A_77 : i32 to index
      %get3A_160 = tpu.vector_load %arg6[%get3A_159] {strides = array<i32>} : memref<16384xi32, #tpu.memory_space<vmem>>, vector<16xi32>,
      %sub3A_161 = arith.constant 0 : i32
      %sub3A_162 = vector.broadcast %sub3A_161 : i32 to vector<16xi32>
      %sub3A_163 = arith.subi %get3A_160, %sub3A_162 : vector<16xi32>
      %get3A_164 = arith.index_cast %mul3A_83 : i32 to index
      %get3A_165 = tpu.vector_load %arg6[%get3A_164] {strides = array<i32>} : memref<16384xi32, #tpu.memory_space<vmem>>, vector<16xi32>,
      %sub3A_166 = arith.constant 0 : i32
      %sub3A_167 = vector.broadcast %sub3A_166 : i32 to vector<16xi32>
      %sub3A_168 = arith.subi %get3A_165, %sub3A_167 : vector<16xi32>
      %get3A_169 = arith.index_cast %mul3A_89 : i32 to index
      %get3A_170 = tpu.vector_load %arg6[%get3A_169] {strides = array<i32>} : memref<16384xi32, #tpu.memory_space<vmem>>, vector<16xi32>,
      %sub3A_171 = arith.constant 0 : i32
      %sub3A_172 = vector.broadcast %sub3A_171 : i32 to vector<16xi32>
      %sub3A_173 = arith.subi %get3A_170, %sub3A_172 : vector<16xi32>
      %get3A_174 = arith.index_cast %mul3A_95 : i32 to index
      %get3A_175 = tpu.vector_load %arg6[%get3A_174] {strides = array<i32>} : memref<16384xi32, #tpu.memory_space<vmem>>, vector<16xi32>,
      %sub3A_176 = arith.constant 0 : i32
      %sub3A_177 = vector.broadcast %sub3A_176 : i32 to vector<16xi32>
      %sub3A_178 = arith.subi %get3A_175, %sub3A_177 : vector<16xi32>
      %get3A_179 = arith.index_cast %mul3A_101 : i32 to index
      %get3A_180 = tpu.vector_load %arg6[%get3A_179] {strides = array<i32>} : memref<16384xi32, #tpu.memory_space<vmem>>, vector<16xi32>,
      %sub3A_181 = arith.constant 0 : i32
      %sub3A_182 = vector.broadcast %sub3A_181 : i32 to vector<16xi32>
      %sub3A_183 = arith.subi %get3A_180, %sub3A_182 : vector<16xi32>
      %get3A_184 = arith.index_cast %mul3A_107 : i32 to index
      %get3A_185 = tpu.vector_load %arg6[%get3A_184] {strides = array<i32>} : memref<16384xi32, #tpu.memory_space<vmem>>, vector<16xi32>,
      %sub3A_186 = arith.constant 0 : i32
      %sub3A_187 = vector.broadcast %sub3A_186 : i32 to vector<16xi32>
      %sub3A_188 = arith.subi %get3A_185, %sub3A_187 : vector<16xi32>
      %get3A_189 = arith.index_cast %mul3A_113 : i32 to index
      %get3A_190 = tpu.vector_load %arg6[%get3A_189] {strides = array<i32>} : memref<16384xi32, #tpu.memory_space<vmem>>, vector<16xi32>,
      %sub3A_191 = arith.constant 0 : i32
      %sub3A_192 = vector.broadcast %sub3A_191 : i32 to vector<16xi32>
      %sub3A_193 = arith.subi %get3A_190, %sub3A_192 : vector<16xi32>
      %get3A_194 = arith.index_cast %mul3A_119 : i32 to index
      %get3A_195 = tpu.vector_load %arg6[%get3A_194] {strides = array<i32>} : memref<16384xi32, #tpu.memory_space<vmem>>, vector<16xi32>,
      %sub3A_196 = arith.constant 0 : i32
      %sub3A_197 = vector.broadcast %sub3A_196 : i32 to vector<16xi32>
      %sub3A_198 = arith.subi %get3A_195, %sub3A_197 : vector<16xi32>
      %get3A_199 = arith.index_cast %mul3A_125 : i32 to index
      %get3A_200 = tpu.vector_load %arg6[%get3A_199] {strides = array<i32>} : memref<16384xi32, #tpu.memory_space<vmem>>, vector<16xi32>,
      %sub3A_201 = arith.constant 0 : i32
      %sub3A_202 = vector.broadcast %sub3A_201 : i32 to vector<16xi32>
      %sub3A_203 = arith.subi %get3A_200, %sub3A_202 : vector<16xi32>
      %lt3A = arith.constant 50048 : i32
      %lt3A_204 = vector.broadcast %lt3A : i32 to vector<16xi32>
      %lt3A_205 = arith.cmpi slt, %sub3A_128, %lt3A_204 : vector<16xi32>
      %lt3A_206 = arith.constant 50048 : i32
      %lt3A_207 = vector.broadcast %lt3A_206 : i32 to vector<16xi32>
      %lt3A_208 = arith.cmpi slt, %sub3A_133, %lt3A_207 : vector<16xi32>
      %lt3A_209 = arith.constant 50048 : i32
      %lt3A_210 = vector.broadcast %lt3A_209 : i32 to vector<16xi32>
      %lt3A_211 = arith.cmpi slt, %sub3A_138, %lt3A_210 : vector<16xi32>
      %lt3A_212 = arith.constant 50048 : i32
      %lt3A_213 = vector.broadcast %lt3A_212 : i32 to vector<16xi32>
      %lt3A_214 = arith.cmpi slt, %sub3A_143, %lt3A_213 : vector<16xi32>
      %lt3A_215 = arith.constant 50048 : i32
      %lt3A_216 = vector.broadcast %lt3A_215 : i32 to vector<16xi32>
      %lt3A_217 = arith.cmpi slt, %sub3A_148, %lt3A_216 : vector<16xi32>
      %lt3A_218 = arith.constant 50048 : i32
      %lt3A_219 = vector.broadcast %lt3A_218 : i32 to vector<16xi32>
      %lt3A_220 = arith.cmpi slt, %sub3A_153, %lt3A_219 : vector<16xi32>
      %lt3A_221 = arith.constant 50048 : i32
      %lt3A_222 = vector.broadcast %lt3A_221 : i32 to vector<16xi32>
      %lt3A_223 = arith.cmpi slt, %sub3A_158, %lt3A_222 : vector<16xi32>
      %lt3A_224 = arith.constant 50048 : i32
      %lt3A_225 = vector.broadcast %lt3A_224 : i32 to vector<16xi32>
      %lt3A_226 = arith.cmpi slt, %sub3A_163, %lt3A_225 : vector<16xi32>
      %lt3A_227 = arith.constant 50048 : i32
      %lt3A_228 = vector.broadcast %lt3A_227 : i32 to vector<16xi32>
      %lt3A_229 = arith.cmpi slt, %sub3A_168, %lt3A_228 : vector<16xi32>
      %lt3A_230 = arith.constant 50048 : i32
      %lt3A_231 = vector.broadcast %lt3A_230 : i32 to vector<16xi32>
      %lt3A_232 = arith.cmpi slt, %sub3A_173, %lt3A_231 : vector<16xi32>
      %lt3A_233 = arith.constant 50048 : i32
      %lt3A_234 = vector.broadcast %lt3A_233 : i32 to vector<16xi32>
      %lt3A_235 = arith.cmpi slt, %sub3A_178, %lt3A_234 : vector<16xi32>
      %lt3A_236 = arith.constant 50048 : i32
      %lt3A_237 = vector.broadcast %lt3A_236 : i32 to vector<16xi32>
      %lt3A_238 = arith.cmpi slt, %sub3A_183, %lt3A_237 : vector<16xi32>
      %lt3A_239 = arith.constant 50048 : i32
      %lt3A_240 = vector.broadcast %lt3A_239 : i32 to vector<16xi32>
      %lt3A_241 = arith.cmpi slt, %sub3A_188, %lt3A_240 : vector<16xi32>
      %lt3A_242 = arith.constant 50048 : i32
      %lt3A_243 = vector.broadcast %lt3A_242 : i32 to vector<16xi32>
      %lt3A_244 = arith.cmpi slt, %sub3A_193, %lt3A_243 : vector<16xi32>
      %lt3A_245 = arith.constant 50048 : i32
      %lt3A_246 = vector.broadcast %lt3A_245 : i32 to vector<16xi32>
      %lt3A_247 = arith.cmpi slt, %sub3A_198, %lt3A_246 : vector<16xi32>
      %lt3A_248 = arith.constant 50048 : i32
      %lt3A_249 = vector.broadcast %lt3A_248 : i32 to vector<16xi32>
      %lt3A_250 = arith.cmpi slt, %sub3A_203, %lt3A_249 : vector<16xi32>
      %gather3A = tpu.vector_load_idx %arg7[%broadcast_in_dim3A_1, %sub3A_128] masked %lt3A_205 : memref<1x50048xf32, #tpu.memory_space<vmem>>[vector<16xi32>, vector<16xi32>], vector<16xf32>, vector<16xi1>
      %gather3A_251 = tpu.vector_load_idx %arg7[%broadcast_in_dim3A_1, %sub3A_133] masked %lt3A_208 : memref<1x50048xf32, #tpu.memory_space<vmem>>[vector<16xi32>, vector<16xi32>], vector<16xf32>, vector<16xi1>
      %gather3A_252 = tpu.vector_load_idx %arg7[%broadcast_in_dim3A_1, %sub3A_138] masked %lt3A_211 : memref<1x50048xf32, #tpu.memory_space<vmem>>[vector<16xi32>, vector<16xi32>], vector<16xf32>, vector<16xi1>
      %gather3A_253 = tpu.vector_load_idx %arg7[%broadcast_in_dim3A_1, %sub3A_143] masked %lt3A_214 : memref<1x50048xf32, #tpu.memory_space<vmem>>[vector<16xi32>, vector<16xi32>], vector<16xf32>, vector<16xi1>
      %gather3A_254 = tpu.vector_load_idx %arg7[%broadcast_in_dim3A_1, %sub3A_148] masked %lt3A_217 : memref<1x50048xf32, #tpu.memory_space<vmem>>[vector<16xi32>, vector<16xi32>], vector<16xf32>, vector<16xi1>
      %gather3A_255 = tpu.vector_load_idx %arg7[%broadcast_in_dim3A_1, %sub3A_153] masked %lt3A_220 : memref<1x50048xf32, #tpu.memory_space<vmem>>[vector<16xi32>, vector<16xi32>], vector<16xf32>, vector<16xi1>
      %gather3A_256 = tpu.vector_load_idx %arg7[%broadcast_in_dim3A_1, %sub3A_158] masked %lt3A_223 : memref<1x50048xf32, #tpu.memory_space<vmem>>[vector<16xi32>, vector<16xi32>], vector<16xf32>, vector<16xi1>
      %gather3A_257 = tpu.vector_load_idx %arg7[%broadcast_in_dim3A_1, %sub3A_163] masked %lt3A_226 : memref<1x50048xf32, #tpu.memory_space<vmem>>[vector<16xi32>, vector<16xi32>], vector<16xf32>, vector<16xi1>
      %gather3A_258 = tpu.vector_load_idx %arg7[%broadcast_in_dim3A_1, %sub3A_168] masked %lt3A_229 : memref<1x50048xf32, #tpu.memory_space<vmem>>[vector<16xi32>, vector<16xi32>], vector<16xf32>, vector<16xi1>
      %gather3A_259 = tpu.vector_load_idx %arg7[%broadcast_in_dim3A_1, %sub3A_173] masked %lt3A_232 : memref<1x50048xf32, #tpu.memory_space<vmem>>[vector<16xi32>, vector<16xi32>], vector<16xf32>, vector<16xi1>
      %gather3A_260 = tpu.vector_load_idx %arg7[%broadcast_in_dim3A_1, %sub3A_178] masked %lt3A_235 : memref<1x50048xf32, #tpu.memory_space<vmem>>[vector<16xi32>, vector<16xi32>], vector<16xf32>, vector<16xi1>
      %gather3A_261 = tpu.vector_load_idx %arg7[%broadcast_in_dim3A_1, %sub3A_183] masked %lt3A_238 : memref<1x50048xf32, #tpu.memory_space<vmem>>[vector<16xi32>, vector<16xi32>], vector<16xf32>, vector<16xi1>
      %gather3A_262 = tpu.vector_load_idx %arg7[%broadcast_in_dim3A_1, %sub3A_188] masked %lt3A_241 : memref<1x50048xf32, #tpu.memory_space<vmem>>[vector<16xi32>, vector<16xi32>], vector<16xf32>, vector<16xi1>
      %gather3A_263 = tpu.vector_load_idx %arg7[%broadcast_in_dim3A_1, %sub3A_193] masked %lt3A_244 : memref<1x50048xf32, #tpu.memory_space<vmem>>[vector<16xi32>, vector<16xi32>], vector<16xf32>, vector<16xi1>
      %gather3A_264 = tpu.vector_load_idx %arg7[%broadcast_in_dim3A_1, %sub3A_198] masked %lt3A_247 : memref<1x50048xf32, #tpu.memory_space<vmem>>[vector<16xi32>, vector<16xi32>], vector<16xf32>, vector<16xi1>
      %gather3A_265 = tpu.vector_load_idx %arg7[%broadcast_in_dim3A_1, %sub3A_203] masked %lt3A_250 : memref<1x50048xf32, #tpu.memory_space<vmem>>[vector<16xi32>, vector<16xi32>], vector<16xf32>, vector<16xi1>
      %add3A_266 = vector.broadcast %mul3A_35 : i32 to vector<16xi32>
      %add3A_267 = arith.addi %iota3A, %add3A_266 : vector<16xi32>
      tpu.vector_store_idx %arg8[%broadcast_in_dim3A_1, %add3A_267], %gather3A masked %lt3A_205 : memref<1x16384xf32, #tpu.memory_space<vmem>>[vector<16xi32>, vector<16xi32>], vector<16xf32>, vector<16xi1>
      %add3A_268 = vector.broadcast %mul3A_41 : i32 to vector<16xi32>
      %add3A_269 = arith.addi %iota3A, %add3A_268 : vector<16xi32>
      tpu.vector_store_idx %arg8[%broadcast_in_dim3A_1, %add3A_269], %gather3A_251 masked %lt3A_208 : memref<1x16384xf32, #tpu.memory_space<vmem>>[vector<16xi32>, vector<16xi32>], vector<16xf32>, vector<16xi1>
      %add3A_270 = vector.broadcast %mul3A_47 : i32 to vector<16xi32>
      %add3A_271 = arith.addi %iota3A, %add3A_270 : vector<16xi32>
      tpu.vector_store_idx %arg8[%broadcast_in_dim3A_1, %add3A_271], %gather3A_252 masked %lt3A_211 : memref<1x16384xf32, #tpu.memory_space<vmem>>[vector<16xi32>, vector<16xi32>], vector<16xf32>, vector<16xi1>
      %add3A_272 = vector.broadcast %mul3A_53 : i32 to vector<16xi32>
      %add3A_273 = arith.addi %iota3A, %add3A_272 : vector<16xi32>
      tpu.vector_store_idx %arg8[%broadcast_in_dim3A_1, %add3A_273], %gather3A_253 masked %lt3A_214 : memref<1x16384xf32, #tpu.memory_space<vmem>>[vector<16xi32>, vector<16xi32>], vector<16xf32>, vector<16xi1>
      %add3A_274 = vector.broadcast %mul3A_59 : i32 to vector<16xi32>
      %add3A_275 = arith.addi %iota3A, %add3A_274 : vector<16xi32>
      tpu.vector_store_idx %arg8[%broadcast_in_dim3A_1, %add3A_275], %gather3A_254 masked %lt3A_217 : memref<1x16384xf32, #tpu.memory_space<vmem>>[vector<16xi32>, vector<16xi32>], vector<16xf32>, vector<16xi1>
      %add3A_276 = vector.broadcast %mul3A_65 : i32 to vector<16xi32>
      %add3A_277 = arith.addi %iota3A, %add3A_276 : vector<16xi32>
      tpu.vector_store_idx %arg8[%broadcast_in_dim3A_1, %add3A_277], %gather3A_255 masked %lt3A_220 : memref<1x16384xf32, #tpu.memory_space<vmem>>[vector<16xi32>, vector<16xi32>], vector<16xf32>, vector<16xi1>
      %add3A_278 = vector.broadcast %mul3A_71 : i32 to vector<16xi32>
      %add3A_279 = arith.addi %iota3A, %add3A_278 : vector<16xi32>
      tpu.vector_store_idx %arg8[%broadcast_in_dim3A_1, %add3A_279], %gather3A_256 masked %lt3A_223 : memref<1x16384xf32, #tpu.memory_space<vmem>>[vector<16xi32>, vector<16xi32>], vector<16xf32>, vector<16xi1>
      %add3A_280 = vector.broadcast %mul3A_77 : i32 to vector<16xi32>
      %add3A_281 = arith.addi %iota3A, %add3A_280 : vector<16xi32>
      tpu.vector_store_idx %arg8[%broadcast_in_dim3A_1, %add3A_281], %gather3A_257 masked %lt3A_226 : memref<1x16384xf32, #tpu.memory_space<vmem>>[vector<16xi32>, vector<16xi32>], vector<16xf32>, vector<16xi1>
      %add3A_282 = vector.broadcast %mul3A_83 : i32 to vector<16xi32>
      %add3A_283 = arith.addi %iota3A, %add3A_282 : vector<16xi32>
      tpu.vector_store_idx %arg8[%broadcast_in_dim3A_1, %add3A_283], %gather3A_258 masked %lt3A_229 : memref<1x16384xf32, #tpu.memory_space<vmem>>[vector<16xi32>, vector<16xi32>], vector<16xf32>, vector<16xi1>
      %add3A_284 = vector.broadcast %mul3A_89 : i32 to vector<16xi32>
      %add3A_285 = arith.addi %iota3A, %add3A_284 : vector<16xi32>
      tpu.vector_store_idx %arg8[%broadcast_in_dim3A_1, %add3A_285], %gather3A_259 masked %lt3A_232 : memref<1x16384xf32, #tpu.memory_space<vmem>>[vector<16xi32>, vector<16xi32>], vector<16xf32>, vector<16xi1>
      %add3A_286 = vector.broadcast %mul3A_95 : i32 to vector<16xi32>
      %add3A_287 = arith.addi %iota3A, %add3A_286 : vector<16xi32>
      tpu.vector_store_idx %arg8[%broadcast_in_dim3A_1, %add3A_287], %gather3A_260 masked %lt3A_235 : memref<1x16384xf32, #tpu.memory_space<vmem>>[vector<16xi32>, vector<16xi32>], vector<16xf32>, vector<16xi1>
      %add3A_288 = vector.broadcast %mul3A_101 : i32 to vector<16xi32>
      %add3A_289 = arith.addi %iota3A, %add3A_288 : vector<16xi32>
      tpu.vector_store_idx %arg8[%broadcast_in_dim3A_1, %add3A_289], %gather3A_261 masked %lt3A_238 : memref<1x16384xf32, #tpu.memory_space<vmem>>[vector<16xi32>, vector<16xi32>], vector<16xf32>, vector<16xi1>
      %add3A_290 = vector.broadcast %mul3A_107 : i32 to vector<16xi32>
      %add3A_291 = arith.addi %iota3A, %add3A_290 : vector<16xi32>
      tpu.vector_store_idx %arg8[%broadcast_in_dim3A_1, %add3A_291], %gather3A_262 masked %lt3A_241 : memref<1x16384xf32, #tpu.memory_space<vmem>>[vector<16xi32>, vector<16xi32>], vector<16xf32>, vector<16xi1>
      %add3A_292 = vector.broadcast %mul3A_113 : i32 to vector<16xi32>
      %add3A_293 = arith.addi %iota3A, %add3A_292 : vector<16xi32>
      tpu.vector_store_idx %arg8[%broadcast_in_dim3A_1, %add3A_293], %gather3A_263 masked %lt3A_244 : memref<1x16384xf32, #tpu.memory_space<vmem>>[vector<16xi32>, vector<16xi32>], vector<16xf32>, vector<16xi1>
      %add3A_294 = vector.broadcast %mul3A_119 : i32 to vector<16xi32>
      %add3A_295 = arith.addi %iota3A, %add3A_294 : vector<16xi32>
      tpu.vector_store_idx %arg8[%broadcast_in_dim3A_1, %add3A_295], %gather3A_264 masked %lt3A_247 : memref<1x16384xf32, #tpu.memory_space<vmem>>[vector<16xi32>, vector<16xi32>], vector<16xf32>, vector<16xi1>
      %add3A_296 = vector.broadcast %mul3A_125 : i32 to vector<16xi32>
      %add3A_297 = arith.addi %iota3A, %add3A_296 : vector<16xi32>
      tpu.vector_store_idx %arg8[%broadcast_in_dim3A_1, %add3A_297], %gather3A_265 masked %lt3A_250 : memref<1x16384xf32, #tpu.memory_space<vmem>>[vector<16xi32>, vector<16xi32>], vector<16xf32>, vector<16xi1>
    }
    %scan3A_23 = arith.constant 64 : i32
    "tpu.region"() ({
      %run_scoped3A = tpu.sem_alloc : memref<!tpu.dma_semaphore, #tpu.memory_space<semaphore_mem>>
      %dma_start3A = arith.constant 0 : i32
      %dma_start3A_29 = arith.constant 0 : i32
      %dma_start3A_30 = tpu.memref_slice %arg7[%dma_start3A, %dma_start3A_29] : memref<1x50048xf32, #tpu.memory_space<vmem>> -> memref<1x49920xf32, #tpu.memory_space<vmem>>
      %dma_start3A_31 = arith.constant 0 : i32
      %dma_start3A_32 = tpu.memref_slice %arg2[%add3A_18, %dma_start3A_31] : memref<64x100000xf32, #tpu.memory_space<hbm>> -> memref<1x100000xf32, #tpu.memory_space<hbm>>
      %dma_start3A_33 = arith.constant 0 : i32
      %dma_start3A_34 = arith.constant 50048 : i32
      %dma_start3A_35 = tpu.memref_slice %dma_start3A_32[%dma_start3A_33, %dma_start3A_34] : memref<1x100000xf32, #tpu.memory_space<hbm>> -> memref<1x49920xf32, #tpu.memory_space<hbm>>
      %dma_start3A_36 = arith.constant 0 : i32
      %dma_start3A_37 = arith.constant 0 : i32
      %dma_start3A_38 = tpu.memref_slice %arg7[%dma_start3A_36, %dma_start3A_37] : memref<1x50048xf32, #tpu.memory_space<vmem>> -> memref<1x49920xf32, #tpu.memory_space<vmem>>
      %dma_start3A_39 = arith.constant 0 : i32
      %dma_start3A_40 = tpu.memref_slice %arg2[%add3A_18, %dma_start3A_39] : memref<64x100000xf32, #tpu.memory_space<hbm>> -> memref<1x100000xf32, #tpu.memory_space<hbm>>
      %dma_start3A_41 = arith.constant 0 : i32
      %dma_start3A_42 = arith.constant 50048 : i32
      %dma_start3A_43 = tpu.memref_slice %dma_start3A_40[%dma_start3A_41, %dma_start3A_42] : memref<1x100000xf32, #tpu.memory_space<hbm>> -> memref<1x49920xf32, #tpu.memory_space<hbm>>
      tpu.enqueue_dma source(%dma_start3A_43 : memref<1x49920xf32, #tpu.memory_space<hbm>>) target(%dma_start3A_38 : memref<1x49920xf32, #tpu.memory_space<vmem>>) target_semaphore(%run_scoped3A : memref<!tpu.dma_semaphore, #tpu.memory_space<semaphore_mem>>)
      %dma_wait3A = arith.constant 0 : i32
      %dma_wait3A_44 = arith.constant 0 : i32
      %dma_wait3A_45 = tpu.memref_slice %arg7[%dma_wait3A, %dma_wait3A_44] : memref<1x50048xf32, #tpu.memory_space<vmem>> -> memref<1x49920xf32, #tpu.memory_space<vmem>>
      %dma_wait3A_46 = arith.constant 0 : i32
      %dma_wait3A_47 = tpu.memref_slice %arg2[%add3A_18, %dma_wait3A_46] : memref<64x100000xf32, #tpu.memory_space<hbm>> -> memref<1x100000xf32, #tpu.memory_space<hbm>>
      %dma_wait3A_48 = arith.constant 0 : i32
      %dma_wait3A_49 = arith.constant 50048 : i32
      %dma_wait3A_50 = tpu.memref_slice %dma_wait3A_47[%dma_wait3A_48, %dma_wait3A_49] : memref<1x100000xf32, #tpu.memory_space<hbm>> -> memref<1x49920xf32, #tpu.memory_space<hbm>>
      %dma_wait3A_51 = arith.constant 0 : i32
      %dma_wait3A_52 = arith.constant 0 : i32
      %dma_wait3A_53 = tpu.memref_slice %arg7[%dma_wait3A_51, %dma_wait3A_52] : memref<1x50048xf32, #tpu.memory_space<vmem>> -> memref<1x49920xf32, #tpu.memory_space<vmem>>
      %dma_wait3A_54 = arith.constant 0 : i32
      %dma_wait3A_55 = tpu.memref_slice %arg2[%add3A_18, %dma_wait3A_54] : memref<64x100000xf32, #tpu.memory_space<hbm>> -> memref<1x100000xf32, #tpu.memory_space<hbm>>
      %dma_wait3A_56 = arith.constant 0 : i32
      %dma_wait3A_57 = arith.constant 50048 : i32
      %dma_wait3A_58 = tpu.memref_slice %dma_wait3A_55[%dma_wait3A_56, %dma_wait3A_57] : memref<1x100000xf32, #tpu.memory_space<hbm>> -> memref<1x49920xf32, #tpu.memory_space<hbm>>
      tpu.wait_dma2 semaphore(%run_scoped3A : memref<!tpu.dma_semaphore, #tpu.memory_space<semaphore_mem>>) src(%dma_wait3A_58 : memref<1x49920xf32, #tpu.memory_space<hbm>>) dst(%dma_wait3A_53 : memref<1x49920xf32, #tpu.memory_space<vmem>>)
      tpu.yield
    }) : () -> ()
    "tpu.region"() ({
      %run_scoped3A = tpu.sem_alloc : memref<!tpu.dma_semaphore, #tpu.memory_space<semaphore_mem>>
      %dma_start3A = arith.constant 0 : i32
      %dma_start3A_29 = arith.constant 49920 : i32
      %dma_start3A_30 = tpu.memref_slice %arg7[%dma_start3A, %dma_start3A_29] : memref<1x50048xf32, #tpu.memory_space<vmem>> -> memref<1x128xf32, #tpu.memory_space<vmem>>
      %dma_start3A_31 = arith.constant 0 : i32
      %dma_start3A_32 = tpu.memref_slice %arg3[%add3A_18, %dma_start3A_31] : memref<64x128xf32, #tpu.memory_space<hbm>> -> memref<1x128xf32, #tpu.memory_space<hbm>>
      %dma_start3A_33 = arith.constant 0 : i32
      %dma_start3A_34 = arith.constant 49920 : i32
      %dma_start3A_35 = tpu.memref_slice %arg7[%dma_start3A_33, %dma_start3A_34] : memref<1x50048xf32, #tpu.memory_space<vmem>> -> memref<1x128xf32, #tpu.memory_space<vmem>>
      %dma_start3A_36 = arith.constant 0 : i32
      %dma_start3A_37 = tpu.memref_slice %arg3[%add3A_18, %dma_start3A_36] : memref<64x128xf32, #tpu.memory_space<hbm>> -> memref<1x128xf32, #tpu.memory_space<hbm>>
      tpu.enqueue_dma source(%dma_start3A_37 : memref<1x128xf32, #tpu.memory_space<hbm>>) target(%dma_start3A_35 : memref<1x128xf32, #tpu.memory_space<vmem>>) target_semaphore(%run_scoped3A : memref<!tpu.dma_semaphore, #tpu.memory_space<semaphore_mem>>)
      %dma_wait3A = arith.constant 0 : i32
      %dma_wait3A_38 = arith.constant 49920 : i32
      %dma_wait3A_39 = tpu.memref_slice %arg7[%dma_wait3A, %dma_wait3A_38] : memref<1x50048xf32, #tpu.memory_space<vmem>> -> memref<1x128xf32, #tpu.memory_space<vmem>>
      %dma_wait3A_40 = arith.constant 0 : i32
      %dma_wait3A_41 = tpu.memref_slice %arg3[%add3A_18, %dma_wait3A_40] : memref<64x128xf32, #tpu.memory_space<hbm>> -> memref<1x128xf32, #tpu.memory_space<hbm>>
      %dma_wait3A_42 = arith.constant 0 : i32
      %dma_wait3A_43 = arith.constant 49920 : i32
      %dma_wait3A_44 = tpu.memref_slice %arg7[%dma_wait3A_42, %dma_wait3A_43] : memref<1x50048xf32, #tpu.memory_space<vmem>> -> memref<1x128xf32, #tpu.memory_space<vmem>>
      %dma_wait3A_45 = arith.constant 0 : i32
      %dma_wait3A_46 = tpu.memref_slice %arg3[%add3A_18, %dma_wait3A_45] : memref<64x128xf32, #tpu.memory_space<hbm>> -> memref<1x128xf32, #tpu.memory_space<hbm>>
      tpu.wait_dma2 semaphore(%run_scoped3A : memref<!tpu.dma_semaphore, #tpu.memory_space<semaphore_mem>>) src(%dma_wait3A_46 : memref<1x128xf32, #tpu.memory_space<hbm>>) dst(%dma_wait3A_44 : memref<1x128xf32, #tpu.memory_space<vmem>>)
      tpu.yield
    }) : () -> ()
    %scan3A_24 = arith.constant 0 : i32
    %scan3A_25 = arith.constant 64 : i32
    %scan3A_26 = arith.addi %scan3A_24, %scan3A_25 : i32
    %scan3A_27 = arith.constant 1 : i32
    scf.for %scan3A_29 = %scan3A_24 to %scan3A_26 step %scan3A_27  : i32 {
      %mul3A_30 = arith.constant 16 : i32
      %mul3A_31 = arith.muli %scan3A_29, %mul3A_30 : i32
      %add3A_32 = arith.constant 0 : i32
      %add3A_33 = arith.addi %mul3A_31, %add3A_32 : i32
      %mul3A_34 = arith.constant 16 : i32
      %mul3A_35 = arith.muli %add3A_33, %mul3A_34 : i32
      %mul3A_36 = arith.constant 16 : i32
      %mul3A_37 = arith.muli %scan3A_29, %mul3A_36 : i32
      %add3A_38 = arith.constant 1 : i32
      %add3A_39 = arith.addi %mul3A_37, %add3A_38 : i32
      %mul3A_40 = arith.constant 16 : i32
      %mul3A_41 = arith.muli %add3A_39, %mul3A_40 : i32
      %mul3A_42 = arith.constant 16 : i32
      %mul3A_43 = arith.muli %scan3A_29, %mul3A_42 : i32
      %add3A_44 = arith.constant 2 : i32
      %add3A_45 = arith.addi %mul3A_43, %add3A_44 : i32
      %mul3A_46 = arith.constant 16 : i32
      %mul3A_47 = arith.muli %add3A_45, %mul3A_46 : i32
      %mul3A_48 = arith.constant 16 : i32
      %mul3A_49 = arith.muli %scan3A_29, %mul3A_48 : i32
      %add3A_50 = arith.constant 3 : i32
      %add3A_51 = arith.addi %mul3A_49, %add3A_50 : i32
      %mul3A_52 = arith.constant 16 : i32
      %mul3A_53 = arith.muli %add3A_51, %mul3A_52 : i32
      %mul3A_54 = arith.constant 16 : i32
      %mul3A_55 = arith.muli %scan3A_29, %mul3A_54 : i32
      %add3A_56 = arith.constant 4 : i32
      %add3A_57 = arith.addi %mul3A_55, %add3A_56 : i32
      %mul3A_58 = arith.constant 16 : i32
      %mul3A_59 = arith.muli %add3A_57, %mul3A_58 : i32
      %mul3A_60 = arith.constant 16 : i32
      %mul3A_61 = arith.muli %scan3A_29, %mul3A_60 : i32
      %add3A_62 = arith.constant 5 : i32
      %add3A_63 = arith.addi %mul3A_61, %add3A_62 : i32
      %mul3A_64 = arith.constant 16 : i32
      %mul3A_65 = arith.muli %add3A_63, %mul3A_64 : i32
      %mul3A_66 = arith.constant 16 : i32
      %mul3A_67 = arith.muli %scan3A_29, %mul3A_66 : i32
      %add3A_68 = arith.constant 6 : i32
      %add3A_69 = arith.addi %mul3A_67, %add3A_68 : i32
      %mul3A_70 = arith.constant 16 : i32
      %mul3A_71 = arith.muli %add3A_69, %mul3A_70 : i32
      %mul3A_72 = arith.constant 16 : i32
      %mul3A_73 = arith.muli %scan3A_29, %mul3A_72 : i32
      %add3A_74 = arith.constant 7 : i32
      %add3A_75 = arith.addi %mul3A_73, %add3A_74 : i32
      %mul3A_76 = arith.constant 16 : i32
      %mul3A_77 = arith.muli %add3A_75, %mul3A_76 : i32
      %mul3A_78 = arith.constant 16 : i32
      %mul3A_79 = arith.muli %scan3A_29, %mul3A_78 : i32
      %add3A_80 = arith.constant 8 : i32
      %add3A_81 = arith.addi %mul3A_79, %add3A_80 : i32
      %mul3A_82 = arith.constant 16 : i32
      %mul3A_83 = arith.muli %add3A_81, %mul3A_82 : i32
      %mul3A_84 = arith.constant 16 : i32
      %mul3A_85 = arith.muli %scan3A_29, %mul3A_84 : i32
      %add3A_86 = arith.constant 9 : i32
      %add3A_87 = arith.addi %mul3A_85, %add3A_86 : i32
      %mul3A_88 = arith.constant 16 : i32
      %mul3A_89 = arith.muli %add3A_87, %mul3A_88 : i32
      %mul3A_90 = arith.constant 16 : i32
      %mul3A_91 = arith.muli %scan3A_29, %mul3A_90 : i32
      %add3A_92 = arith.constant 10 : i32
      %add3A_93 = arith.addi %mul3A_91, %add3A_92 : i32
      %mul3A_94 = arith.constant 16 : i32
      %mul3A_95 = arith.muli %add3A_93, %mul3A_94 : i32
      %mul3A_96 = arith.constant 16 : i32
      %mul3A_97 = arith.muli %scan3A_29, %mul3A_96 : i32
      %add3A_98 = arith.constant 11 : i32
      %add3A_99 = arith.addi %mul3A_97, %add3A_98 : i32
      %mul3A_100 = arith.constant 16 : i32
      %mul3A_101 = arith.muli %add3A_99, %mul3A_100 : i32
      %mul3A_102 = arith.constant 16 : i32
      %mul3A_103 = arith.muli %scan3A_29, %mul3A_102 : i32
      %add3A_104 = arith.constant 12 : i32
      %add3A_105 = arith.addi %mul3A_103, %add3A_104 : i32
      %mul3A_106 = arith.constant 16 : i32
      %mul3A_107 = arith.muli %add3A_105, %mul3A_106 : i32
      %mul3A_108 = arith.constant 16 : i32
      %mul3A_109 = arith.muli %scan3A_29, %mul3A_108 : i32
      %add3A_110 = arith.constant 13 : i32
      %add3A_111 = arith.addi %mul3A_109, %add3A_110 : i32
      %mul3A_112 = arith.constant 16 : i32
      %mul3A_113 = arith.muli %add3A_111, %mul3A_112 : i32
      %mul3A_114 = arith.constant 16 : i32
      %mul3A_115 = arith.muli %scan3A_29, %mul3A_114 : i32
      %add3A_116 = arith.constant 14 : i32
      %add3A_117 = arith.addi %mul3A_115, %add3A_116 : i32
      %mul3A_118 = arith.constant 16 : i32
      %mul3A_119 = arith.muli %add3A_117, %mul3A_118 : i32
      %mul3A_120 = arith.constant 16 : i32
      %mul3A_121 = arith.muli %scan3A_29, %mul3A_120 : i32
      %add3A_122 = arith.constant 15 : i32
      %add3A_123 = arith.addi %mul3A_121, %add3A_122 : i32
      %mul3A_124 = arith.constant 16 : i32
      %mul3A_125 = arith.muli %add3A_123, %mul3A_124 : i32
      %get3A = arith.index_cast %mul3A_35 : i32 to index
      %get3A_126 = tpu.vector_load %arg6[%get3A] {strides = array<i32>} : memref<16384xi32, #tpu.memory_space<vmem>>, vector<16xi32>,
      %sub3A = arith.constant 50048 : i32
      %sub3A_127 = vector.broadcast %sub3A : i32 to vector<16xi32>
      %sub3A_128 = arith.subi %get3A_126, %sub3A_127 : vector<16xi32>
      %get3A_129 = arith.index_cast %mul3A_41 : i32 to index
      %get3A_130 = tpu.vector_load %arg6[%get3A_129] {strides = array<i32>} : memref<16384xi32, #tpu.memory_space<vmem>>, vector<16xi32>,
      %sub3A_131 = arith.constant 50048 : i32
      %sub3A_132 = vector.broadcast %sub3A_131 : i32 to vector<16xi32>
      %sub3A_133 = arith.subi %get3A_130, %sub3A_132 : vector<16xi32>
      %get3A_134 = arith.index_cast %mul3A_47 : i32 to index
      %get3A_135 = tpu.vector_load %arg6[%get3A_134] {strides = array<i32>} : memref<16384xi32, #tpu.memory_space<vmem>>, vector<16xi32>,
      %sub3A_136 = arith.constant 50048 : i32
      %sub3A_137 = vector.broadcast %sub3A_136 : i32 to vector<16xi32>
      %sub3A_138 = arith.subi %get3A_135, %sub3A_137 : vector<16xi32>
      %get3A_139 = arith.index_cast %mul3A_53 : i32 to index
      %get3A_140 = tpu.vector_load %arg6[%get3A_139] {strides = array<i32>} : memref<16384xi32, #tpu.memory_space<vmem>>, vector<16xi32>,
      %sub3A_141 = arith.constant 50048 : i32
      %sub3A_142 = vector.broadcast %sub3A_141 : i32 to vector<16xi32>
      %sub3A_143 = arith.subi %get3A_140, %sub3A_142 : vector<16xi32>
      %get3A_144 = arith.index_cast %mul3A_59 : i32 to index
      %get3A_145 = tpu.vector_load %arg6[%get3A_144] {strides = array<i32>} : memref<16384xi32, #tpu.memory_space<vmem>>, vector<16xi32>,
      %sub3A_146 = arith.constant 50048 : i32
      %sub3A_147 = vector.broadcast %sub3A_146 : i32 to vector<16xi32>
      %sub3A_148 = arith.subi %get3A_145, %sub3A_147 : vector<16xi32>
      %get3A_149 = arith.index_cast %mul3A_65 : i32 to index
      %get3A_150 = tpu.vector_load %arg6[%get3A_149] {strides = array<i32>} : memref<16384xi32, #tpu.memory_space<vmem>>, vector<16xi32>,
      %sub3A_151 = arith.constant 50048 : i32
      %sub3A_152 = vector.broadcast %sub3A_151 : i32 to vector<16xi32>
      %sub3A_153 = arith.subi %get3A_150, %sub3A_152 : vector<16xi32>
      %get3A_154 = arith.index_cast %mul3A_71 : i32 to index
      %get3A_155 = tpu.vector_load %arg6[%get3A_154] {strides = array<i32>} : memref<16384xi32, #tpu.memory_space<vmem>>, vector<16xi32>,
      %sub3A_156 = arith.constant 50048 : i32
      %sub3A_157 = vector.broadcast %sub3A_156 : i32 to vector<16xi32>
      %sub3A_158 = arith.subi %get3A_155, %sub3A_157 : vector<16xi32>
      %get3A_159 = arith.index_cast %mul3A_77 : i32 to index
      %get3A_160 = tpu.vector_load %arg6[%get3A_159] {strides = array<i32>} : memref<16384xi32, #tpu.memory_space<vmem>>, vector<16xi32>,
      %sub3A_161 = arith.constant 50048 : i32
      %sub3A_162 = vector.broadcast %sub3A_161 : i32 to vector<16xi32>
      %sub3A_163 = arith.subi %get3A_160, %sub3A_162 : vector<16xi32>
      %get3A_164 = arith.index_cast %mul3A_83 : i32 to index
      %get3A_165 = tpu.vector_load %arg6[%get3A_164] {strides = array<i32>} : memref<16384xi32, #tpu.memory_space<vmem>>, vector<16xi32>,
      %sub3A_166 = arith.constant 50048 : i32
      %sub3A_167 = vector.broadcast %sub3A_166 : i32 to vector<16xi32>
      %sub3A_168 = arith.subi %get3A_165, %sub3A_167 : vector<16xi32>
      %get3A_169 = arith.index_cast %mul3A_89 : i32 to index
      %get3A_170 = tpu.vector_load %arg6[%get3A_169] {strides = array<i32>} : memref<16384xi32, #tpu.memory_space<vmem>>, vector<16xi32>,
      %sub3A_171 = arith.constant 50048 : i32
      %sub3A_172 = vector.broadcast %sub3A_171 : i32 to vector<16xi32>
      %sub3A_173 = arith.subi %get3A_170, %sub3A_172 : vector<16xi32>
      %get3A_174 = arith.index_cast %mul3A_95 : i32 to index
      %get3A_175 = tpu.vector_load %arg6[%get3A_174] {strides = array<i32>} : memref<16384xi32, #tpu.memory_space<vmem>>, vector<16xi32>,
      %sub3A_176 = arith.constant 50048 : i32
      %sub3A_177 = vector.broadcast %sub3A_176 : i32 to vector<16xi32>
      %sub3A_178 = arith.subi %get3A_175, %sub3A_177 : vector<16xi32>
      %get3A_179 = arith.index_cast %mul3A_101 : i32 to index
      %get3A_180 = tpu.vector_load %arg6[%get3A_179] {strides = array<i32>} : memref<16384xi32, #tpu.memory_space<vmem>>, vector<16xi32>,
      %sub3A_181 = arith.constant 50048 : i32
      %sub3A_182 = vector.broadcast %sub3A_181 : i32 to vector<16xi32>
      %sub3A_183 = arith.subi %get3A_180, %sub3A_182 : vector<16xi32>
      %get3A_184 = arith.index_cast %mul3A_107 : i32 to index
      %get3A_185 = tpu.vector_load %arg6[%get3A_184] {strides = array<i32>} : memref<16384xi32, #tpu.memory_space<vmem>>, vector<16xi32>,
      %sub3A_186 = arith.constant 50048 : i32
      %sub3A_187 = vector.broadcast %sub3A_186 : i32 to vector<16xi32>
      %sub3A_188 = arith.subi %get3A_185, %sub3A_187 : vector<16xi32>
      %get3A_189 = arith.index_cast %mul3A_113 : i32 to index
      %get3A_190 = tpu.vector_load %arg6[%get3A_189] {strides = array<i32>} : memref<16384xi32, #tpu.memory_space<vmem>>, vector<16xi32>,
      %sub3A_191 = arith.constant 50048 : i32
      %sub3A_192 = vector.broadcast %sub3A_191 : i32 to vector<16xi32>
      %sub3A_193 = arith.subi %get3A_190, %sub3A_192 : vector<16xi32>
      %get3A_194 = arith.index_cast %mul3A_119 : i32 to index
      %get3A_195 = tpu.vector_load %arg6[%get3A_194] {strides = array<i32>} : memref<16384xi32, #tpu.memory_space<vmem>>, vector<16xi32>,
      %sub3A_196 = arith.constant 50048 : i32
      %sub3A_197 = vector.broadcast %sub3A_196 : i32 to vector<16xi32>
      %sub3A_198 = arith.subi %get3A_195, %sub3A_197 : vector<16xi32>
      %get3A_199 = arith.index_cast %mul3A_125 : i32 to index
      %get3A_200 = tpu.vector_load %arg6[%get3A_199] {strides = array<i32>} : memref<16384xi32, #tpu.memory_space<vmem>>, vector<16xi32>,
      %sub3A_201 = arith.constant 50048 : i32
      %sub3A_202 = vector.broadcast %sub3A_201 : i32 to vector<16xi32>
      %sub3A_203 = arith.subi %get3A_200, %sub3A_202 : vector<16xi32>
      %ge3A = arith.constant 0 : i32
      %ge3A_204 = vector.broadcast %ge3A : i32 to vector<16xi32>
      %ge3A_205 = arith.cmpi sge, %sub3A_128, %ge3A_204 : vector<16xi32>
      %ge3A_206 = arith.constant 0 : i32
      %ge3A_207 = vector.broadcast %ge3A_206 : i32 to vector<16xi32>
      %ge3A_208 = arith.cmpi sge, %sub3A_133, %ge3A_207 : vector<16xi32>
      %ge3A_209 = arith.constant 0 : i32
      %ge3A_210 = vector.broadcast %ge3A_209 : i32 to vector<16xi32>
      %ge3A_211 = arith.cmpi sge, %sub3A_138, %ge3A_210 : vector<16xi32>
      %ge3A_212 = arith.constant 0 : i32
      %ge3A_213 = vector.broadcast %ge3A_212 : i32 to vector<16xi32>
      %ge3A_214 = arith.cmpi sge, %sub3A_143, %ge3A_213 : vector<16xi32>
      %ge3A_215 = arith.constant 0 : i32
      %ge3A_216 = vector.broadcast %ge3A_215 : i32 to vector<16xi32>
      %ge3A_217 = arith.cmpi sge, %sub3A_148, %ge3A_216 : vector<16xi32>
      %ge3A_218 = arith.constant 0 : i32
      %ge3A_219 = vector.broadcast %ge3A_218 : i32 to vector<16xi32>
      %ge3A_220 = arith.cmpi sge, %sub3A_153, %ge3A_219 : vector<16xi32>
      %ge3A_221 = arith.constant 0 : i32
      %ge3A_222 = vector.broadcast %ge3A_221 : i32 to vector<16xi32>
      %ge3A_223 = arith.cmpi sge, %sub3A_158, %ge3A_222 : vector<16xi32>
      %ge3A_224 = arith.constant 0 : i32
      %ge3A_225 = vector.broadcast %ge3A_224 : i32 to vector<16xi32>
      %ge3A_226 = arith.cmpi sge, %sub3A_163, %ge3A_225 : vector<16xi32>
      %ge3A_227 = arith.constant 0 : i32
      %ge3A_228 = vector.broadcast %ge3A_227 : i32 to vector<16xi32>
      %ge3A_229 = arith.cmpi sge, %sub3A_168, %ge3A_228 : vector<16xi32>
      %ge3A_230 = arith.constant 0 : i32
      %ge3A_231 = vector.broadcast %ge3A_230 : i32 to vector<16xi32>
      %ge3A_232 = arith.cmpi sge, %sub3A_173, %ge3A_231 : vector<16xi32>
      %ge3A_233 = arith.constant 0 : i32
      %ge3A_234 = vector.broadcast %ge3A_233 : i32 to vector<16xi32>
      %ge3A_235 = arith.cmpi sge, %sub3A_178, %ge3A_234 : vector<16xi32>
      %ge3A_236 = arith.constant 0 : i32
      %ge3A_237 = vector.broadcast %ge3A_236 : i32 to vector<16xi32>
      %ge3A_238 = arith.cmpi sge, %sub3A_183, %ge3A_237 : vector<16xi32>
      %ge3A_239 = arith.constant 0 : i32
      %ge3A_240 = vector.broadcast %ge3A_239 : i32 to vector<16xi32>
      %ge3A_241 = arith.cmpi sge, %sub3A_188, %ge3A_240 : vector<16xi32>
      %ge3A_242 = arith.constant 0 : i32
      %ge3A_243 = vector.broadcast %ge3A_242 : i32 to vector<16xi32>
      %ge3A_244 = arith.cmpi sge, %sub3A_193, %ge3A_243 : vector<16xi32>
      %ge3A_245 = arith.constant 0 : i32
      %ge3A_246 = vector.broadcast %ge3A_245 : i32 to vector<16xi32>
      %ge3A_247 = arith.cmpi sge, %sub3A_198, %ge3A_246 : vector<16xi32>
      %ge3A_248 = arith.constant 0 : i32
      %ge3A_249 = vector.broadcast %ge3A_248 : i32 to vector<16xi32>
      %ge3A_250 = arith.cmpi sge, %sub3A_203, %ge3A_249 : vector<16xi32>
      %gather3A = tpu.vector_load_idx %arg7[%broadcast_in_dim3A_1, %sub3A_128] masked %ge3A_205 : memref<1x50048xf32, #tpu.memory_space<vmem>>[vector<16xi32>, vector<16xi32>], vector<16xf32>, vector<16xi1>
      %gather3A_251 = tpu.vector_load_idx %arg7[%broadcast_in_dim3A_1, %sub3A_133] masked %ge3A_208 : memref<1x50048xf32, #tpu.memory_space<vmem>>[vector<16xi32>, vector<16xi32>], vector<16xf32>, vector<16xi1>
      %gather3A_252 = tpu.vector_load_idx %arg7[%broadcast_in_dim3A_1, %sub3A_138] masked %ge3A_211 : memref<1x50048xf32, #tpu.memory_space<vmem>>[vector<16xi32>, vector<16xi32>], vector<16xf32>, vector<16xi1>
      %gather3A_253 = tpu.vector_load_idx %arg7[%broadcast_in_dim3A_1, %sub3A_143] masked %ge3A_214 : memref<1x50048xf32, #tpu.memory_space<vmem>>[vector<16xi32>, vector<16xi32>], vector<16xf32>, vector<16xi1>
      %gather3A_254 = tpu.vector_load_idx %arg7[%broadcast_in_dim3A_1, %sub3A_148] masked %ge3A_217 : memref<1x50048xf32, #tpu.memory_space<vmem>>[vector<16xi32>, vector<16xi32>], vector<16xf32>, vector<16xi1>
      %gather3A_255 = tpu.vector_load_idx %arg7[%broadcast_in_dim3A_1, %sub3A_153] masked %ge3A_220 : memref<1x50048xf32, #tpu.memory_space<vmem>>[vector<16xi32>, vector<16xi32>], vector<16xf32>, vector<16xi1>
      %gather3A_256 = tpu.vector_load_idx %arg7[%broadcast_in_dim3A_1, %sub3A_158] masked %ge3A_223 : memref<1x50048xf32, #tpu.memory_space<vmem>>[vector<16xi32>, vector<16xi32>], vector<16xf32>, vector<16xi1>
      %gather3A_257 = tpu.vector_load_idx %arg7[%broadcast_in_dim3A_1, %sub3A_163] masked %ge3A_226 : memref<1x50048xf32, #tpu.memory_space<vmem>>[vector<16xi32>, vector<16xi32>], vector<16xf32>, vector<16xi1>
      %gather3A_258 = tpu.vector_load_idx %arg7[%broadcast_in_dim3A_1, %sub3A_168] masked %ge3A_229 : memref<1x50048xf32, #tpu.memory_space<vmem>>[vector<16xi32>, vector<16xi32>], vector<16xf32>, vector<16xi1>
      %gather3A_259 = tpu.vector_load_idx %arg7[%broadcast_in_dim3A_1, %sub3A_173] masked %ge3A_232 : memref<1x50048xf32, #tpu.memory_space<vmem>>[vector<16xi32>, vector<16xi32>], vector<16xf32>, vector<16xi1>
      %gather3A_260 = tpu.vector_load_idx %arg7[%broadcast_in_dim3A_1, %sub3A_178] masked %ge3A_235 : memref<1x50048xf32, #tpu.memory_space<vmem>>[vector<16xi32>, vector<16xi32>], vector<16xf32>, vector<16xi1>
      %gather3A_261 = tpu.vector_load_idx %arg7[%broadcast_in_dim3A_1, %sub3A_183] masked %ge3A_238 : memref<1x50048xf32, #tpu.memory_space<vmem>>[vector<16xi32>, vector<16xi32>], vector<16xf32>, vector<16xi1>
      %gather3A_262 = tpu.vector_load_idx %arg7[%broadcast_in_dim3A_1, %sub3A_188] masked %ge3A_241 : memref<1x50048xf32, #tpu.memory_space<vmem>>[vector<16xi32>, vector<16xi32>], vector<16xf32>, vector<16xi1>
      %gather3A_263 = tpu.vector_load_idx %arg7[%broadcast_in_dim3A_1, %sub3A_193] masked %ge3A_244 : memref<1x50048xf32, #tpu.memory_space<vmem>>[vector<16xi32>, vector<16xi32>], vector<16xf32>, vector<16xi1>
      %gather3A_264 = tpu.vector_load_idx %arg7[%broadcast_in_dim3A_1, %sub3A_198] masked %ge3A_247 : memref<1x50048xf32, #tpu.memory_space<vmem>>[vector<16xi32>, vector<16xi32>], vector<16xf32>, vector<16xi1>
      %gather3A_265 = tpu.vector_load_idx %arg7[%broadcast_in_dim3A_1, %sub3A_203] masked %ge3A_250 : memref<1x50048xf32, #tpu.memory_space<vmem>>[vector<16xi32>, vector<16xi32>], vector<16xf32>, vector<16xi1>
      %add3A_266 = vector.broadcast %mul3A_35 : i32 to vector<16xi32>
      %add3A_267 = arith.addi %iota3A, %add3A_266 : vector<16xi32>
      tpu.vector_store_idx %arg8[%broadcast_in_dim3A_1, %add3A_267], %gather3A masked %ge3A_205 : memref<1x16384xf32, #tpu.memory_space<vmem>>[vector<16xi32>, vector<16xi32>], vector<16xf32>, vector<16xi1>
      %add3A_268 = vector.broadcast %mul3A_41 : i32 to vector<16xi32>
      %add3A_269 = arith.addi %iota3A, %add3A_268 : vector<16xi32>
      tpu.vector_store_idx %arg8[%broadcast_in_dim3A_1, %add3A_269], %gather3A_251 masked %ge3A_208 : memref<1x16384xf32, #tpu.memory_space<vmem>>[vector<16xi32>, vector<16xi32>], vector<16xf32>, vector<16xi1>
      %add3A_270 = vector.broadcast %mul3A_47 : i32 to vector<16xi32>
      %add3A_271 = arith.addi %iota3A, %add3A_270 : vector<16xi32>
      tpu.vector_store_idx %arg8[%broadcast_in_dim3A_1, %add3A_271], %gather3A_252 masked %ge3A_211 : memref<1x16384xf32, #tpu.memory_space<vmem>>[vector<16xi32>, vector<16xi32>], vector<16xf32>, vector<16xi1>
      %add3A_272 = vector.broadcast %mul3A_53 : i32 to vector<16xi32>
      %add3A_273 = arith.addi %iota3A, %add3A_272 : vector<16xi32>
      tpu.vector_store_idx %arg8[%broadcast_in_dim3A_1, %add3A_273], %gather3A_253 masked %ge3A_214 : memref<1x16384xf32, #tpu.memory_space<vmem>>[vector<16xi32>, vector<16xi32>], vector<16xf32>, vector<16xi1>
      %add3A_274 = vector.broadcast %mul3A_59 : i32 to vector<16xi32>
      %add3A_275 = arith.addi %iota3A, %add3A_274 : vector<16xi32>
      tpu.vector_store_idx %arg8[%broadcast_in_dim3A_1, %add3A_275], %gather3A_254 masked %ge3A_217 : memref<1x16384xf32, #tpu.memory_space<vmem>>[vector<16xi32>, vector<16xi32>], vector<16xf32>, vector<16xi1>
      %add3A_276 = vector.broadcast %mul3A_65 : i32 to vector<16xi32>
      %add3A_277 = arith.addi %iota3A, %add3A_276 : vector<16xi32>
      tpu.vector_store_idx %arg8[%broadcast_in_dim3A_1, %add3A_277], %gather3A_255 masked %ge3A_220 : memref<1x16384xf32, #tpu.memory_space<vmem>>[vector<16xi32>, vector<16xi32>], vector<16xf32>, vector<16xi1>
      %add3A_278 = vector.broadcast %mul3A_71 : i32 to vector<16xi32>
      %add3A_279 = arith.addi %iota3A, %add3A_278 : vector<16xi32>
      tpu.vector_store_idx %arg8[%broadcast_in_dim3A_1, %add3A_279], %gather3A_256 masked %ge3A_223 : memref<1x16384xf32, #tpu.memory_space<vmem>>[vector<16xi32>, vector<16xi32>], vector<16xf32>, vector<16xi1>
      %add3A_280 = vector.broadcast %mul3A_77 : i32 to vector<16xi32>
      %add3A_281 = arith.addi %iota3A, %add3A_280 : vector<16xi32>
      tpu.vector_store_idx %arg8[%broadcast_in_dim3A_1, %add3A_281], %gather3A_257 masked %ge3A_226 : memref<1x16384xf32, #tpu.memory_space<vmem>>[vector<16xi32>, vector<16xi32>], vector<16xf32>, vector<16xi1>
      %add3A_282 = vector.broadcast %mul3A_83 : i32 to vector<16xi32>
      %add3A_283 = arith.addi %iota3A, %add3A_282 : vector<16xi32>
      tpu.vector_store_idx %arg8[%broadcast_in_dim3A_1, %add3A_283], %gather3A_258 masked %ge3A_229 : memref<1x16384xf32, #tpu.memory_space<vmem>>[vector<16xi32>, vector<16xi32>], vector<16xf32>, vector<16xi1>
      %add3A_284 = vector.broadcast %mul3A_89 : i32 to vector<16xi32>
      %add3A_285 = arith.addi %iota3A, %add3A_284 : vector<16xi32>
      tpu.vector_store_idx %arg8[%broadcast_in_dim3A_1, %add3A_285], %gather3A_259 masked %ge3A_232 : memref<1x16384xf32, #tpu.memory_space<vmem>>[vector<16xi32>, vector<16xi32>], vector<16xf32>, vector<16xi1>
      %add3A_286 = vector.broadcast %mul3A_95 : i32 to vector<16xi32>
      %add3A_287 = arith.addi %iota3A, %add3A_286 : vector<16xi32>
      tpu.vector_store_idx %arg8[%broadcast_in_dim3A_1, %add3A_287], %gather3A_260 masked %ge3A_235 : memref<1x16384xf32, #tpu.memory_space<vmem>>[vector<16xi32>, vector<16xi32>], vector<16xf32>, vector<16xi1>
      %add3A_288 = vector.broadcast %mul3A_101 : i32 to vector<16xi32>
      %add3A_289 = arith.addi %iota3A, %add3A_288 : vector<16xi32>
      tpu.vector_store_idx %arg8[%broadcast_in_dim3A_1, %add3A_289], %gather3A_261 masked %ge3A_238 : memref<1x16384xf32, #tpu.memory_space<vmem>>[vector<16xi32>, vector<16xi32>], vector<16xf32>, vector<16xi1>
      %add3A_290 = vector.broadcast %mul3A_107 : i32 to vector<16xi32>
      %add3A_291 = arith.addi %iota3A, %add3A_290 : vector<16xi32>
      tpu.vector_store_idx %arg8[%broadcast_in_dim3A_1, %add3A_291], %gather3A_262 masked %ge3A_241 : memref<1x16384xf32, #tpu.memory_space<vmem>>[vector<16xi32>, vector<16xi32>], vector<16xf32>, vector<16xi1>
      %add3A_292 = vector.broadcast %mul3A_113 : i32 to vector<16xi32>
      %add3A_293 = arith.addi %iota3A, %add3A_292 : vector<16xi32>
      tpu.vector_store_idx %arg8[%broadcast_in_dim3A_1, %add3A_293], %gather3A_263 masked %ge3A_244 : memref<1x16384xf32, #tpu.memory_space<vmem>>[vector<16xi32>, vector<16xi32>], vector<16xf32>, vector<16xi1>
      %add3A_294 = vector.broadcast %mul3A_119 : i32 to vector<16xi32>
      %add3A_295 = arith.addi %iota3A, %add3A_294 : vector<16xi32>
      tpu.vector_store_idx %arg8[%broadcast_in_dim3A_1, %add3A_295], %gather3A_264 masked %ge3A_247 : memref<1x16384xf32, #tpu.memory_space<vmem>>[vector<16xi32>, vector<16xi32>], vector<16xf32>, vector<16xi1>
      %add3A_296 = vector.broadcast %mul3A_125 : i32 to vector<16xi32>
      %add3A_297 = arith.addi %iota3A, %add3A_296 : vector<16xi32>
      tpu.vector_store_idx %arg8[%broadcast_in_dim3A_1, %add3A_297], %gather3A_265 masked %ge3A_250 : memref<1x16384xf32, #tpu.memory_space<vmem>>[vector<16xi32>, vector<16xi32>], vector<16xf32>, vector<16xi1>
    }
    %scan3A_28 = arith.constant 64 : i32
    "tpu.region"() ({
      %run_scoped3A = tpu.sem_alloc : memref<!tpu.dma_semaphore, #tpu.memory_space<semaphore_mem>>
      %dma_start3A = arith.constant 0 : i32
      %dma_start3A_29 = tpu.memref_slice %arg5[%add3A_18, %dma_start3A] : memref<64x16384xf32, #tpu.memory_space<hbm>> -> memref<1x16384xf32, #tpu.memory_space<hbm>>
      %dma_start3A_30 = arith.constant 0 : i32
      %dma_start3A_31 = tpu.memref_slice %arg5[%add3A_18, %dma_start3A_30] : memref<64x16384xf32, #tpu.memory_space<hbm>> -> memref<1x16384xf32, #tpu.memory_space<hbm>>
      tpu.enqueue_dma source(%arg8 : memref<1x16384xf32, #tpu.memory_space<vmem>>) target(%dma_start3A_31 : memref<1x16384xf32, #tpu.memory_space<hbm>>) target_semaphore(%run_scoped3A : memref<!tpu.dma_semaphore, #tpu.memory_space<semaphore_mem>>)
      %dma_wait3A = arith.constant 0 : i32
      %dma_wait3A_32 = tpu.memref_slice %arg5[%add3A_18, %dma_wait3A] : memref<64x16384xf32, #tpu.memory_space<hbm>> -> memref<1x16384xf32, #tpu.memory_space<hbm>>
      %dma_wait3A_33 = arith.constant 0 : i32
      %dma_wait3A_34 = tpu.memref_slice %arg5[%add3A_18, %dma_wait3A_33] : memref<64x16384xf32, #tpu.memory_space<hbm>> -> memref<1x16384xf32, #tpu.memory_space<hbm>>
      tpu.wait_dma2 semaphore(%run_scoped3A : memref<!tpu.dma_semaphore, #tpu.memory_space<semaphore_mem>>) src(%arg8 : memref<1x16384xf32, #tpu.memory_space<vmem>>) dst(%dma_wait3A_34 : memref<1x16384xf32, #tpu.memory_space<hbm>>)
      tpu.yield
    }) : () -> ()
    return
  }
}

</mosaic_0001>

<sc_bundles>
// kernel: kernel.3.cloned.1.call-start
scs
__scs_entry_jumppad:
0x0: {  	(pc) =	sbr.rel $0x88, $3  }
0x1: {  	(tag) =	ssettag $0x0;
	lr =	simm.s32 $0x1  }
0x2: {  	[smem:$0x3F9F] =	sst lr;
	_ =	strace $0xD0000000  }
0x3: {  	_ = 	snop  }
0x4: {  	_ = 	snop  }
0x5: {  	_ = 	snop  }
0x6: {  	_ = 	snop  }
0x7: {  	_ = 	snop  }
__scs_overlays_trampoline_lowered:
0x8: {  	[smem:$0x3FAE] =	sst s0  }
0x9: {  	[smem:$0x3FAF] =	sst s1  }
0xa: {  	[smem:$0x3FB0] =	sst s2  }
0xb: {  	[smem:$0x3FB1] =	sst s3  }
0xc: {  	[smem:$0x3FB2] =	sst s4  }
0xd: {  	[smem:$0x3FB3] =	sst s5  }
0xe: {  	[smem:$0x3FB4] =	sst s6  }
0xf: {  	[smem:$0x3FB5] =	sst s7  }
0x10: {  	[smem:$0x3FB6] =	sst s8  }
0x11: {  	[smem:$0x3FB7] =	sst s9;
	s0 =	simm.s32 @!p0 $0x0  }
0x12: {  	s1 =	sld [smem:$0x3F9D];
	s0 =	simm.s32 @p0 $0x1  }
0x13: {  	[smem:$0x3FB8] =	sst s0;
	s0 =	simm.s32 @!p1 $0x0  }
0x14: {  	s2 =	sld [smem:$0x3F9C];
	s0 =	simm.s32 @p1 $0x1  }
0x15: {  	[smem:$0x3FB9] =	sst s0;
	s0 =	simm.s32 @!p2 $0x0  }
0x16: {  	s3 =	sld [smem:$0x3FDB];
	s0 =	simm.s32 @p2 $0x1  }
0x17: {  	s4 =	simm.s32 $0x1BF5;
	[smem:$0x3FBB] =	sst s0  }
0x18: {  	s0 =	sld [smem:$0x3F9E];
	_ =	swait.ge [sflag:s4], $0x0  }
0x19: {  	s7 =	sld [smem:$0x3F9F]  }
0x1a: {  	s8 =	sadd.s32 $0xFFFFE003, lr  }
0x1b: {  	s9 =	sadd.s32 $0xFFFFFEF7, lr;
	s5 =	simm.s32 $0xFFFFFFFF;
	p2 =	slt.u32 s8, $0xFFFFF086  }
0x1c: {  	p1 =	slt.u32 s9, $0xF7A;
	s5 =	simm.s32 @!p2 $0x0  }
0x1d: {  	s5 =	simm.s32 @p1 $0x1;
	p0 =	seq.s32 s7, s2  }
0x1e: {  	s7 =	smul.u32 @!p0 $0xF7A, s2;
	p2 =	seq.s32 @!p0 s5, $0x0  }
0x1f: {  	s9 =	smul.u32 $0xF7A, s1;
	s8 =	simm.s32 @!p0 $0x1BF5;
	p2 =	por !p2, p0  }
0x20: {  	[sflag:s8] =	ssyncset.s32 @!p0 $0xFFFFF086;
	s6 =	sadd.s32 @!p0 s3, s7;
	s7 =	simm.s32 @!p0 $0x108  }
0x21: {  	s3 =	sadd.s32 s3, s9;
	s6 =	sadd.s32 @!p0 $0x88, s6;
	s7 =	simm.s32 @p2 $0x1082  }
0x22: {  	[simem:s7], [sflag:s8] =	dma.local @!p0 [hbm:s6], $0xF7A  }
0x23: {  	s9 =	sor.u32 $0xD0000000, s2;
	s6 =	simm.s32 $0x108;
	_ =	swait.ge @!p0 [sflag:s8], $0x0  }
0x24: {  	s3 =	sadd.s32 $0x88, s3;
	s6 =	simm.s32 @!p1 $0x1082;
	[sflag:s4] =	ssyncset.s32 $0xFFFFF086  }
0x25: {  	[simem:s6], [sflag:s4] =	dma.local [hbm:s3], $0xF7A  }
0x26: {  	[smem:$0x3F9F] =	sst s1;
	(tag) =	ssettag s2;
	_ =	strace s9  }
0x27: {  	s1 =	sld [smem:$0x3FAF]  }
0x28: {  	s2 =	sld [smem:$0x3FB0]  }
0x29: {  	s4 =	sld [smem:$0x3FB2]  }
0x2a: {  	p0 =	seq.s32 s5, $0x0;
	s5 =	sld [smem:$0x3FB3]  }
0x2b: {  	s6 =	sld [smem:$0x3FB4]  }
0x2c: {  	s7 =	sld [smem:$0x3FB5]  }
0x2d: {  	s3 =	simm.s32 $0x108;
	s8 =	sld [smem:$0x3FB6]  }
0x2e: {  	s3 =	simm.s32 @!p0 $0x1082;
	s9 =	sld [smem:$0x3FB7]  }
0x2f: {  	lr =	sadd.s32 s0, s3;
	s0 =	sld [smem:$0x3FAE]  }
0x30: {  	s3 =	sld [smem:$0x3FB1]  }
0x31: {  	[smem:$0x3FBA] =	sst s10  }
0x32: {  	s10 =	sld [smem:$0x3FB8];
	_ =	sdelay $0x3  }
0x33: {  	p0 =	seq.s32 s10, $0x1;
	s10 =	sld [smem:$0x3FBA];
	_ =	sdelay $0x3  }
0x34: {  	[smem:$0x3FBA] =	sst s10  }
0x35: {  	s10 =	sld [smem:$0x3FB9];
	_ =	sdelay $0x3  }
0x36: {  	p1 =	seq.s32 s10, $0x1;
	s10 =	sld [smem:$0x3FBA];
	_ =	sdelay $0x3  }
0x37: {  	[smem:$0x3FBA] =	sst s10  }
0x38: {  	s10 =	sld [smem:$0x3FBB]  }
0x39: {  	_ = 	snop;
	(pc) =	sbr.ind lr, $3  }
0x3a: {  	_ = 	snop  }
0x3b: {  	_ = 	snop  }
0x3c: {  	p2 =	seq.s32 s10, $0x1;
	s10 =	sld [smem:$0x3FBA]  }
0x3d: {  	_ =	shalt  }
0x3e: {  	_ =	shalt  }
0x3f: {  	_ =	shalt  }
0x40: {  	_ =	shalt  }
0x41: {  	_ =	shalt  }
0x42: {  	_ =	shalt  }
0x43: {  	_ =	shalt  }
0x44: {  	_ =	shalt  }
0x45: {  	_ =	shalt  }
0x46: {  	_ =	shalt  }
0x47: {  	_ =	shalt  }
0x48: {  	_ =	shalt  }
0x49: {  	_ =	shalt  }
0x4a: {  	_ =	shalt  }
0x4b: {  	_ =	shalt  }
0x4c: {  	_ =	shalt  }
0x4d: {  	_ =	shalt  }
0x4e: {  	_ =	shalt  }
0x4f: {  	_ =	shalt  }
0x50: {  	_ =	shalt  }
0x51: {  	_ =	shalt  }
0x52: {  	_ =	shalt  }
0x53: {  	_ =	shalt  }
0x54: {  	_ =	shalt  }
0x55: {  	_ =	shalt  }
0x56: {  	_ =	shalt  }
0x57: {  	_ =	shalt  }
0x58: {  	_ =	shalt  }
0x59: {  	_ =	shalt  }
0x5a: {  	_ =	shalt  }
0x5b: {  	_ =	shalt  }
0x5c: {  	_ =	shalt  }
0x5d: {  	_ =	shalt  }
0x5e: {  	_ =	shalt  }
0x5f: {  	_ =	shalt  }
0x60: {  	_ =	shalt  }
0x61: {  	_ =	shalt  }
0x62: {  	_ =	shalt  }
0x63: {  	_ =	shalt  }
0x64: {  	_ =	shalt  }
0x65: {  	_ =	shalt  }
0x66: {  	_ =	shalt  }
0x67: {  	_ =	shalt  }
0x68: {  	_ =	shalt  }
0x69: {  	_ =	shalt  }
0x6a: {  	_ =	shalt  }
0x6b: {  	_ =	shalt  }
0x6c: {  	_ =	shalt  }
0x6d: {  	_ =	shalt  }
0x6e: {  	_ =	shalt  }
0x6f: {  	_ =	shalt  }
0x70: {  	_ =	shalt  }
0x71: {  	_ =	shalt  }
0x72: {  	_ =	shalt  }
0x73: {  	_ =	shalt  }
0x74: {  	_ =	shalt  }
0x75: {  	_ =	shalt  }
0x76: {  	_ =	shalt  }
0x77: {  	_ =	shalt  }
0x78: {  	_ =	shalt  }
0x79: {  	_ =	shalt  }
0x7a: {  	_ =	shalt  }
0x7b: {  	_ =	shalt  }
0x7c: {  	_ =	shalt  }
0x7d: {  	_ =	shalt  }
0x7e: {  	_ =	shalt  }
0x7f: {  	_ =	shalt  }
0x80: {  	_ =	shalt  }
0x81: {  	_ =	shalt  }
0x82: {  	_ =	shalt  }
0x83: {  	_ =	shalt  }
0x84: {  	_ =	shalt  }
0x85: {  	_ =	shalt  }
0x86: {  	_ =	shalt  }
0x87: {  	_ =	shalt  }
.Lfunc_end0:
.L_simem_size_0:
called_computation_lowered:
.L_overlay_start_0:
0x88: {  	s2 =	sld [smem:$0x3FD9]  }
0x89: {  	s3 =	sld [smem:$0x3FFE];
	_ =	sdelay $0x1  }
0x8a: {  	s1 =	srdreg.scid  }
0x8b: {  	s0 =	sand.u32 $0x1, s1  }
0x8c: {  	s17 =	sshll.u32 s0, $0xA;
	s2 =	sadd.s32 s3, s2  }
0x8d: {  	s2 =	sadd.s32 s2, s17  }
0x8e: {  	[smem:$0x3FC6] =	sst s2  }
0x8f: {  	_ = 	snop  }
0x90: {  	s2 =	sld [smem:$0x3FC9]  }
0x91: {  	s18 =	sld [smem:$0x3FC8]  }
0x92: {  	s4 =	sld [smem:$0x3FD0];
	(tm) =	ssettm $0x1  }
0x93: {  	s5 =	sld [smem:$0x3FFB];
	_ =	sdelay $0x3  }
0x94: {  	_ =	strace s5  }
0x95: {  	s5 =	sld [smem:$0x3FFC];
	_ =	sdelay $0x3  }
0x96: {  	_ =	strace s5  }
0x97: {  	s5 =	sld [smem:$0x3FFD];
	_ =	sdelay $0x3  }
0x98: {  	_ =	strace s5  }
0x99: {  	_ =	strace $0x8FFFFFFF  }
0x9a: {  	s19 =	sld [smem:$0x3FDB];
	_ =	sdelay $0x1  }
0x9b: {  	s6 =	simm.s32 $_scs_section_size  }
0x9c: {  	s7 =	simm.s32 $_size__tile_overlayer_lowered;
	s8 =	simm.s32 $_tile_overlayer_lowered  }
0x9d: {  	s22 =	simm.s32 $0x1BFF;
	s21 =	sshll.u32 s8, $0x1;
	s5 =	sadd.s32 s6, s19  }
0x9e: {  	s9 =	simm.s32 $0x0;
	s20 =	sshll.u32 s7, $0x1;
	s7 =	sadd.s32 s21, s5  }
0x9f: {  	[timem:s9], [sflag:s22] =	dma.local [hbm:s7], s20  }
0xa0: {  	_ =	swait.ge [sflag:s22], s20  }
0xa1: {  	s6 =	ssub.s32 $0x0, s20;
	[sflag:s22] =	ssyncset.done $0x0  }
0xa2: {  	[sflag:s22] =	ssyncadd.s32 s6;
	_ =	sdelay $0x1  }
0xa3: {  	s23 =	simm.s32 $0x1B8B  }
0xa4: {  	_ =	swait.ge [sflag:s23], $0x1  }
0xa5: {  	[sflag:s23] =	ssyncset.done $0x0  }
0xa6: {  	s25 =	simm.s32 $0x1B8E;
	s24 =	sld [smem:$0x3FFE];
	[sflag:s23] =	ssyncadd.s32 $0xFFFFFFFF  }
0xa7: {  	s26 =	simm.s32 $execute0_lowered;
	[smem:$0x3FD2] =	sst s25  }
0xa8: {  	s7 =	sshll.u32 s26, $0x1;
	_ =	strace $0x80000046;
	[dreg:$0x1] =	wrdreg $0xFFFFFFFF  }
0xa9: {  	s28 =	simm.s32 $_size_execute0_lowered;
	s5 =	sadd.s32 s5, s7;
	[dreg:$0x0] =	wrdreg $0x0  }
0xaa: {  	s7 =	sshll.u32 s28, $0x1;
	[dreg:$0x2] =	wrdreg s5  }
0xab: {  	[dreg:$0x3] =	wrdreg s7  }
0xac: {  	[dreg:$0x4] =	wrdreg $0xC0  }
0xad: {  	_ =	task [dreg:s9], $0x5FFFF  }
0xae: {  	[dreg:$0x1] =	wrdreg $0xFFFFFFFF  }
0xaf: {  	[dreg:$0x0] =	wrdreg $0x60  }
0xb0: {  	[dreg:$0x2] =	wrdreg s18  }
0xb1: {  	[dreg:$0x3] =	wrdreg s24  }
0xb2: {  	[dreg:$0x4] =	wrdreg s2  }
0xb3: {  	[dreg:$0x5] =	wrdreg s4  }
0xb4: {  	[dreg:$0x6] =	wrdreg $0x9  }
0xb5: {  	_ =	task.clear_ibuf [dreg:s9], $0x7FFFF;
	_ =	strace $0x90000046  }
0xb6: {  	s29 =	simm.s32 $0x9;
	_ =	strace $0x80000048  }
0xb7: {  	_ =	swait.ge [sflag:s29], $0x1  }
0xb8: {  	[sflag:s29] =	ssyncadd.s32 $0xFFFFFFFF  }
0xb9: {  	_ =	strace $0x90000048  }
0xba: {  	_ =	sfence  }
0xbb: {  	s30 =	sld [smem:$0x0];
	_ =	sdelay $0x2  }
0xbc: {  	s31 =	sshll.u32 s1, $0xD;
	s1 =	sshrl.u32 s1, $0x2  }
0xbd: {  	s3 =	sand.u32 $0x4000, s31;
	s1 =	sadd.s32 s1, s30  }
0xbe: {  	s0 =	sor.u32 s3, s0;
	s1 =	sshll.u32 s1, $0x11  }
0xbf: {  	s0 =	sor.u32 s1, s0  }
0xc0: {  	s0 =	sadd.s32 $0x8F2B, s0  }
0xc1: {  	[sflag:s0] =	ssyncadd.remote.s32 $0x1  }
0xc2: {  	_ =	sfence.sel $0xFFFF  }
0xc3: {  	[dreg:$0x0] =	wrdreg $0xFFFFFFFF;
	(pc) =	sbr.abs _section_cstart, $3  }
0xc4: {  	[dreg:$0x1] =	wrdreg $0xFFFFFFFF  }
0xc5: {  	_ =	task.clear_ibuf [dreg:s9], $0x2FFFF;
	_ =	strace $0x9FFFFFFF  }
0xc6: {  	(tm) =	ssettm $0x7FFFFFFF  }
0xc7: {  	_ =	shalt  }
tec
execute0_lowered:
.L_overlay_start_1:
0x0: {  	(tag) =	ssettag $0x1  }
0x1: {  	s7 =	rddreg [dreg:$0x0]  }
0x2: {  	s4 =	rddreg [dreg:$0x1]  }
0x3: {  	s1 =	rddreg [dreg:$0x2]  }
0x4: {  	s9 =	rddreg [dreg:$0x3]  }
0x5: {  	s0 =	rddreg [dreg:$0x4];
	s2 =	simm.s32 $0x0  }
0x6: {  	s3 =	srdreg.scid;
	s16 =	simm.s32 $0x10300;
	s17 =	simm.s32 $0x80  }
0x7: {  	s18 =	simm.s32 $0x0;
	[smem:$0x7FF] =	sst s2;
	s5 =	sand.u32 $0x1, s3  }
0x8: {  	s3 =	stileid.u32;
	s13 =	sadd.s32 $0x400, s4;
	_ =	strace $0x80000047  }
0x9: {  	s6 =	ssub.s32 $0x2, s5;
	s10 =	sshll.u32 s3, $0x9;
	s11 =	sshrl.u32 s3, $0x1  }
0xa: {  	s5 =	sshll.u32 s5, $0x8;
	s10 =	sand.u32 $0x200, s10;
	s12 =	smul.u32 $0xC3800, s11  }
0xb: {  	s8 =	sshrl.u32 s6, $0x1;
	s28 =	sshll.u32 s11, $0xA;
	s25 =	sor.u32 s5, s10  }
0xc: {  	s11 =	sshll.u32 s11, $0x11;
	s14 =	ssub.s32 s6, s8;
	s26 =	sor.u32 s12, s25  }
0xd: {  	s5 =	sor.u32 s28, s25;
	s29 =	sor.u32 s11, s25;
	s8 =	sor.u32 $0x80, s25  }
0xe: {  	s4 =	sshrl.u32 s26, $0x3;
	s5 =	sshrl.u32 s5, $0x3;
	s6 =	sshrl.u32 s29, $0x3  }
0xf: {  	s12 =	sor.u32 s12, s8;
	s10 =	sor.u32 s28, s8;
	s8 =	sor.u32 s11, s8  }
0x10: {  	s11 =	simm.s32 $0x1;
	s4 =	sadd.s32 s7, s4;
	s5 =	sadd.s32 s13, s5  }
0x11: {  	v1 =	vimm.s32 $0x0;
	vm0 =	vcmask $0x300;
	v0 =	vlaneseq.u32;
	s6 =	sadd.s32 s9, s6;
	s30 =	sshrl.u32 s12, $0x3;
	s10 =	sshrl.u32 s10, $0x3  }
0x12: {  	v1 =	vsel vm0, $0x7, v1;
	v2 =	vor.u32 $0x10, v0;
	s31 =	sshrl.u32 s8, $0x3;
	s12 =	simm.s32 $0x400;
	s7 =	sadd.s32 s7, s30  }
0x13: {  	v3 =	vor.u32 $0x20, v0;
	v4 =	vor.u32 $0x30, v0;
	v5 =	vor.u32 $0x40, v0;
	s8 =	sadd.s32 s13, s10;
	s9 =	sadd.s32 s9, s31;
	s10 =	smax.u32 s14, $0x1  }
0x14: {  	v6 =	vor.u32 $0x50, v0;
	v7 =	vor.u32 $0x60, v0;
	v8 =	vor.u32 $0x70, v0;
	s13 =	simm.s32 $0x4000;
	s14 =	simm.s32 $0x10380;
	s15 =	sadd.s32 $0xC380, s4  }
.LBB2_1:
0x15: {  	[tilespmem:s2], [sflag:$0x1] =	stream.linear.gather [hbm4b:s1+s2], $0x4000, $0x38;
	[tilespmem:$0x14380] =	vst v63  }
0x16: {  	_ =	swait.ge [sflag:s11], $0x4000  }
0x17: {  	[sflag:s11] =	ssyncset.done $0x0  }
0x18: {  	[sflag:s11] =	ssyncadd.s32 $0xFFFFC000  }
0x19: {  	[tilespmem:s13], [sflag:$0x1] =	stream.strided.gather [hbm4b:s4+s17], $0xC380, s12, s17, $0x38;
	[tilespmem:$0x14380] =	vst v63  }
0x1a: {  	_ =	swait.ge [sflag:s11], $0xC380  }
0x1b: {  	[sflag:s11] =	ssyncset.done $0x0  }
0x1c: {  	[sflag:s11] =	ssyncadd.s32 $0xFFFF3C80  }
0x1d: {  	v9 =	vld [tilespmem:s17+$0xFFFFFFD0]  }
0x1e: {  	v15 =	vld [tilespmem:s17+$0xFFFFFFE0]  }
0x1f: {  	v14 =	vld [tilespmem:s17+$0x20]  }
0x20: {  	v11 =	vld [tilespmem:s17+$0x60]  }
0x21: {  	v10 =	vld [tilespmem:s17+$0x50]  }
0x22: {  	v12 =	vld [tilespmem:s17+$0x70]  }
0x23: {  	v16 =	vld [tilespmem:s17+$0xFFFFFF80]  }
0x24: {  	v17 =	vld [tilespmem:s17+$0xFFFFFF90]  }
0x25: {  	v23 =	vld [tilespmem:s17+$0xFFFFFFA0]  }
0x26: {  	v18 =	vld [tilespmem:s17+$0x40]  }
0x27: {  	v25 =	vld [tilespmem:s17+$0x30];
	vm4 =	vlt.s32 v9, $0xC380  }
0x28: {  	v19 =	vld [tilespmem:s17+$0xFFFFFFF0];
	vm0 =	vlt.s32 v12, $0xC380  }
0x29: {  	v22 =	vld [tilespmem:s17+$0x0];
	vm11 =	vlt.s32 v16, $0xC380  }
0x2a: {  	v26 =	vld [tilespmem:s17+$0x10];
	vm1 =	vlt.s32 v10, $0xC380  }
0x2b: {  	v30 =	vld [tilespmem:s17+$0xFFFFFFB0];
	vm10 =	vlt.s32 v17, $0xC380  }
0x2c: {  	v24 =	vld [tilespmem:s17+$0xFFFFFFC0];
	vm3 =	vlt.s32 v11, $0xC380  }
0x2d: {  	vm12 =	vlt.s32 v23, $0xC380;
	v13 =	vld.idx.msk [tilespmem:v9+s13+$0x0], vm4  }
0x2e: {  	vm5 =	vlt.s32 v25, $0xC380;
	v9 =	vld.idx.msk [tilespmem:v12+s13+$0x0], vm0  }
0x2f: {  	vm7 =	vlt.s32 v26, $0xC380;
	v20 =	vld.idx.msk [tilespmem:v16+s13+$0x0], vm11  }
0x30: {  	s19 =	simm.s32 $0x0;
	vm2 =	vlt.s32 v18, $0xC380;
	v10 =	vld.idx.msk [tilespmem:v10+s13+$0x0], vm1  }
0x31: {  	s20 =	simm.s32 $0x80;
	vm14 =	vlt.s32 v30, $0xC380;
	v12 =	vmov s19;
	v21 =	vld.idx.msk [tilespmem:v17+s13+$0x0], vm10  }
0x32: {  	s21 =	simm.s32 $0x90;
	v32 =	vmov s20;
	v11 =	vld.idx.msk [tilespmem:v11+s13+$0x0], vm3;
	v12 =	vshrl.u32 v12, $0x7  }
0x33: {  	v33 =	vmov s21;
	vm8 =	vlt.s32 v22, $0xC380;
	v23 =	vld.idx.msk [tilespmem:v23+s13+$0x0], vm12;
	v12 =	vshll.u32 v12, v1  }
0x34: {  	v32 =	vshrl.u32 v32, $0x7;
	vm9 =	vlt.s32 v19, $0xC380;
	v16 =	vld.idx.msk [tilespmem:v25+s13+$0x0], vm5;
	v31 =	vbroadcast v12, $0x0  }
0x35: {  	vm6 =	vlt.s32 v14, $0xC380;
	vm15 =	vlt.s32 v24, $0xC380;
	vm13 =	vlt.s32 v15, $0xC380;
	v17 =	vld.idx.msk [tilespmem:v26+s13+$0x0], vm7  }
0x36: {  	s22 =	simm.s32 $0xA0;
	v12 =	vld.idx.msk [tilespmem:v18+s13+$0x0], vm2;
	v27 =	vor.u32 v0, v31;
	v18 =	vor.u32 v6, v31;
	v29 =	vor.u32 v2, v31  }
0x37: {  	s20 =	simm.s32 $0x1F0;
	s21 =	simm.s32 $0x80;
	s19 =	simm.s32 $0xF0;
	v30 =	vld.idx.msk [tilespmem:v30+s13+$0x0], vm14;
	v28 =	vor.u32 v3, v31;
	v25 =	vor.u32 v4, v31;
	v26 =	vor.u32 v5, v31  }
.LBB2_2:
0x38: {  	p0 =	sne.s32 s20, $0x3FF0  }
0x39: {  	v22 =	vld.idx.msk [tilespmem:v22+s13+$0x0], vm8;
	v32 =	vshll.u32 v32, v1;
	v33 =	vshrl.u32 v33, $0x7;
	v34 =	vmov s22;
	s21 =	sadd.s32 $0x100, s21;
	s22 =	smov.u32 s20;
	s20 =	sadd.s32 $0x100, s20  }
0x3a: {  	s23 =	sadd.s32 $0xFFFFFFC0, s19;
	v35 =	vor.u32 v7, v31;
	v19 =	vld.idx.msk [tilespmem:v19+s13+$0x0], vm9;
	v32 =	vbroadcast v32, $0x0;
	v33 =	vshll.u32 v33, v1  }
0x3b: {  	v31 =	vor.u32 v8, v31;
	v36 =	vmov s23;
	v24 =	vld.idx.msk [tilespmem:v24+s13+$0x0], vm15;
	v33 =	vbroadcast v33, $0x0  }
0x3c: {  	v34 =	vshrl.u32 v34, $0x7;
	v36 =	vshrl.u32 v36, $0x7;
	v15 =	vld.idx.msk [tilespmem:v15+s13+$0x0], vm13;
	v32 =	vor.u32 v0, v32  }
0x3d: {  	v36 =	vshll.u32 v36, v1;
	v14 =	vld.idx.msk [tilespmem:v14+s13+$0x0], vm6;
	v33 =	vor.u32 v2, v33  }
0x3e: {  	s23 =	sadd.s32 $0xFFFFFFD0, s19;
	[tilespmem:v27+s14+$0x0] =	vst.idx.msk vm11, v20;
	v20 =	vshll.u32 v34, v1;
	v27 =	vbroadcast v36, $0x0  }
0x3f: {  	s24 =	sadd.s32 $0xFFFFFFE0, s19;
	[tilespmem:v29+s14+$0x0] =	vst.idx.msk vm10, v21;
	v20 =	vbroadcast v20, $0x0;
	v21 =	vmov s23  }
0x40: {  	s23 =	sadd.s32 $0xFFFFFFF0, s19;
	[tilespmem:v28+s14+$0x0] =	vst.idx.msk vm12, v23;
	v23 =	vor.u32 v4, v27;
	v21 =	vshrl.u32 v21, $0x7;
	v27 =	vmov s24  }
0x41: {  	[tilespmem:v25+s14+$0x0] =	vst.idx.msk vm14, v30;
	v20 =	vor.u32 v3, v20;
	v21 =	vshll.u32 v21, v1;
	v25 =	vshrl.u32 v27, $0x7  }
0x42: {  	[tilespmem:v26+s14+$0x0] =	vst.idx.msk vm15, v24;
	v21 =	vbroadcast v21, $0x0;
	v24 =	vshll.u32 v25, v1;
	v25 =	vmov s23  }
0x43: {  	[tilespmem:v18+s14+$0x0] =	vst.idx.msk vm4, v13;
	v13 =	vbroadcast v24, $0x0;
	v18 =	vshrl.u32 v25, $0x7;
	v24 =	vmov s19;
	s19 =	smov.u32 s22  }
0x44: {  	[tilespmem:v35+s14+$0x0] =	vst.idx.msk vm13, v15;
	v15 =	vor.u32 v5, v21;
	v18 =	vshll.u32 v18, v1;
	v21 =	vshrl.u32 v24, $0x7  }
0x45: {  	[tilespmem:v31+s14+$0x0] =	vst.idx.msk vm9, v19;
	v13 =	vor.u32 v6, v13;
	v18 =	vbroadcast v18, $0x0;
	v19 =	vshll.u32 v21, v1  }
0x46: {  	[tilespmem:v32+s14+$0x0] =	vst.idx.msk vm8, v22;
	v19 =	vbroadcast v19, $0x0  }
0x47: {  	[tilespmem:v33+s14+$0x0] =	vst.idx.msk vm7, v17;
	v17 =	vor.u32 v7, v18  }
0x48: {  	[tilespmem:v20+s14+$0x0] =	vst.idx.msk vm6, v14;
	v14 =	vor.u32 v8, v19  }
0x49: {  	[tilespmem:v23+s14+$0x0] =	vst.idx.msk vm5, v16  }
0x4a: {  	[tilespmem:v15+s14+$0x0] =	vst.idx.msk vm2, v12  }
0x4b: {  	[tilespmem:v13+s14+$0x0] =	vst.idx.msk vm1, v10  }
0x4c: {  	[tilespmem:v17+s14+$0x0] =	vst.idx.msk vm3, v11  }
0x4d: {  	[tilespmem:v14+s14+$0x0] =	vst.idx.msk vm0, v9  }
0x4e: {  	v9 =	vld [tilespmem:s21+$0xFFFFFFD0]  }
0x4f: {  	v15 =	vld [tilespmem:s21+$0xFFFFFFE0]  }
0x50: {  	v14 =	vld [tilespmem:s21+$0x20]  }
0x51: {  	v11 =	vld [tilespmem:s21+$0x60]  }
0x52: {  	v10 =	vld [tilespmem:s21+$0x50]  }
0x53: {  	v12 =	vld [tilespmem:s21+$0x70];
	vm4 =	vlt.s32 v9, $0xC380  }
0x54: {  	v16 =	vld [tilespmem:s21+$0xFFFFFF80]  }
0x55: {  	v17 =	vld [tilespmem:s21+$0xFFFFFF90]  }
0x56: {  	v23 =	vld [tilespmem:s21+$0xFFFFFFA0]  }
0x57: {  	v18 =	vld [tilespmem:s21+$0x40]  }
0x58: {  	v25 =	vld [tilespmem:s21+$0x30];
	vm0 =	vlt.s32 v12, $0xC380  }
0x59: {  	vm1 =	vlt.s32 v10, $0xC380;
	v19 =	vld [tilespmem:s21+$0xFFFFFFF0]  }
0x5a: {  	vm11 =	vlt.s32 v16, $0xC380;
	v22 =	vld [tilespmem:s21+$0x0]  }
0x5b: {  	v26 =	vld [tilespmem:s21+$0x10]  }
0x5c: {  	vm10 =	vlt.s32 v17, $0xC380;
	vm2 =	vlt.s32 v18, $0xC380;
	v13 =	vld.idx.msk [tilespmem:v9+s13+$0x0], vm4  }
0x5d: {  	vm6 =	vlt.s32 v14, $0xC380;
	vm3 =	vlt.s32 v11, $0xC380;
	v30 =	vld [tilespmem:s21+$0xFFFFFFB0];
	vm5 =	vlt.s32 v25, $0xC380  }
0x5e: {  	s22 =	sadd.s32 $0xFFFFFF10, s19;
	v9 =	vld.idx.msk [tilespmem:v12+s13+$0x0], vm0  }
0x5f: {  	vm12 =	vlt.s32 v23, $0xC380;
	v12 =	vmov s22;
	v24 =	vld [tilespmem:s21+$0xFFFFFFC0]  }
0x60: {  	vm8 =	vlt.s32 v22, $0xC380;
	v12 =	vshrl.u32 v12, $0x7;
	vm7 =	vlt.s32 v26, $0xC380;
	v20 =	vld.idx.msk [tilespmem:v16+s13+$0x0], vm11  }
0x61: {  	v12 =	vshll.u32 v12, v1;
	v10 =	vld.idx.msk [tilespmem:v10+s13+$0x0], vm1  }
0x62: {  	v31 =	vbroadcast v12, $0x0;
	vm14 =	vlt.s32 v30, $0xC380;
	v21 =	vld.idx.msk [tilespmem:v17+s13+$0x0], vm10  }
0x63: {  	vm9 =	vlt.s32 v19, $0xC380;
	v12 =	vld.idx.msk [tilespmem:v18+s13+$0x0], vm2  }
.Ltmp0:
0x64: {  	v27 =	vor.u32 v0, v31;
	v18 =	vor.u32 v6, v31;
	v11 =	vld.idx.msk [tilespmem:v11+s13+$0x0], vm3;
	(pc) =	sbr.rel @p0 .LBB2_2-.Ltmp0, $4  }
0x65: {  	vm13 =	vlt.s32 v15, $0xC380;
	v29 =	vor.u32 v2, v31;
	vm15 =	vlt.s32 v24, $0xC380;
	v23 =	vld.idx.msk [tilespmem:v23+s13+$0x0], vm12  }
0x66: {  	s22 =	sadd.s32 $0xFFFFFF90, s19;
	v28 =	vor.u32 v3, v31;
	v16 =	vld.idx.msk [tilespmem:v25+s13+$0x0], vm5  }
0x67: {  	s23 =	sadd.s32 $0xFFFFFFA0, s19;
	v32 =	vmov s22;
	v25 =	vor.u32 v4, v31;
	v17 =	vld.idx.msk [tilespmem:v26+s13+$0x0], vm7  }
0x68: {  	v33 =	vmov s23;
	s22 =	sadd.s32 $0xFFFFFFB0, s19;
	v32 =	vshrl.u32 v32, $0x7;
	v26 =	vor.u32 v5, v31;
	v30 =	vld.idx.msk [tilespmem:v30+s13+$0x0], vm14  }
0x69: {  	_ =	sdelay $0x4  }
0x6a: {  	v22 =	vld.idx.msk [tilespmem:v22+s13+$0x0], vm8  }
0x6b: {  	v19 =	vld.idx.msk [tilespmem:v19+s13+$0x0], vm9  }
0x6c: {  	v32 =	vshll.u32 v32, v1;
	v33 =	vshrl.u32 v33, $0x7;
	v24 =	vld.idx.msk [tilespmem:v24+s13+$0x0], vm15  }
0x6d: {  	s20 =	sadd.s32 $0xFFFFFFC0, s19;
	v34 =	vmov s22;
	v35 =	vor.u32 v7, v31;
	v15 =	vld.idx.msk [tilespmem:v15+s13+$0x0], vm13;
	v31 =	vor.u32 v8, v31  }
0x6e: {  	v14 =	vld.idx.msk [tilespmem:v14+s13+$0x0], vm6;
	s24 =	sadd.s32 $0xFFFFFFD0, s19;
	[tilespmem:v27+s14+$0x0] =	vst.idx.msk vm11, v20;
	v36 =	vmov s20;
	v32 =	vbroadcast v32, $0x0;
	v33 =	vshll.u32 v33, v1  }
0x6f: {  	v34 =	vshrl.u32 v34, $0x7;
	[tilespmem:v29+s14+$0x0] =	vst.idx.msk vm10, v21;
	v21 =	vmov s24;
	v36 =	vshrl.u32 v36, $0x7  }
0x70: {  	v33 =	vbroadcast v33, $0x0;
	v20 =	vshll.u32 v34, v1;
	v36 =	vshll.u32 v36, v1  }
0x71: {  	v21 =	vshrl.u32 v21, $0x7;
	v32 =	vor.u32 v0, v32;
	v27 =	vbroadcast v36, $0x0  }
0x72: {  	s25 =	sadd.s32 $0xFFFFFFE0, s19;
	[tilespmem:v28+s14+$0x0] =	vst.idx.msk vm12, v23;
	v20 =	vbroadcast v20, $0x0;
	v21 =	vshll.u32 v21, v1;
	v29 =	vor.u32 v2, v33  }
0x73: {  	s21 =	sadd.s32 $0xFFFFFFF0, s19;
	[tilespmem:v25+s14+$0x0] =	vst.idx.msk vm14, v30;
	v21 =	vbroadcast v21, $0x0;
	v23 =	vor.u32 v4, v27;
	v27 =	vmov s25  }
0x74: {  	v20 =	vor.u32 v3, v20;
	[tilespmem:v26+s14+$0x0] =	vst.idx.msk vm15, v24;
	v24 =	vmov s21;
	v25 =	vshrl.u32 v27, $0x7  }
0x75: {  	[tilespmem:v18+s14+$0x0] =	vst.idx.msk vm4, v13;
	v13 =	vshrl.u32 v24, $0x7;
	v18 =	vmov s19;
	v25 =	vshll.u32 v25, v1  }
0x76: {  	[tilespmem:v35+s14+$0x0] =	vst.idx.msk vm13, v15;
	v13 =	vshll.u32 v13, v1;
	v15 =	vshrl.u32 v18, $0x7;
	v24 =	vbroadcast v25, $0x0  }
0x77: {  	v18 =	vor.u32 v5, v21;
	[tilespmem:v31+s14+$0x0] =	vst.idx.msk vm9, v19;
	v13 =	vbroadcast v13, $0x0;
	v15 =	vshll.u32 v15, v1  }
0x78: {  	[tilespmem:v32+s14+$0x0] =	vst.idx.msk vm8, v22;
	v15 =	vbroadcast v15, $0x0;
	v19 =	vor.u32 v6, v24  }
0x79: {  	[tilespmem:v29+s14+$0x0] =	vst.idx.msk vm7, v17;
	v13 =	vor.u32 v7, v13  }
0x7a: {  	[tilespmem:v20+s14+$0x0] =	vst.idx.msk vm6, v14;
	v14 =	vor.u32 v8, v15  }
0x7b: {  	[tilespmem:v23+s14+$0x0] =	vst.idx.msk vm5, v16  }
0x7c: {  	[tilespmem:v18+s14+$0x0] =	vst.idx.msk vm2, v12  }
0x7d: {  	[tilespmem:v19+s14+$0x0] =	vst.idx.msk vm1, v10  }
0x7e: {  	[tilespmem:v13+s14+$0x0] =	vst.idx.msk vm3, v11  }
0x7f: {  	s26 =	simm.s32 $0x80;
	[tilespmem:v14+s14+$0x0] =	vst.idx.msk vm0, v9  }
0x80: {  	[tilespmem:s13], [sflag:$0x1] =	stream.strided.gather [hbm4b:s15+s26], $0xC300, s12, s26, $0x38;
	[tilespmem:$0x14380] =	vst v63  }
0x81: {  	_ =	swait.ge [sflag:s11], $0xC300  }
0x82: {  	[sflag:s11] =	ssyncset.done $0x0  }
0x83: {  	[sflag:s11] =	ssyncadd.s32 $0xFFFF3D00  }
0x84: {  	[tilespmem:s16], [sflag:$0x1] =	stream.linear.gather [hbm4b:s5+s2], $0x80, $0x38;
	[tilespmem:$0x14380] =	vst v63  }
0x85: {  	_ =	swait.ge [sflag:s11], $0x80  }
0x86: {  	[sflag:s11] =	ssyncset.done $0x0  }
0x87: {  	[sflag:s11] =	ssyncadd.s32 $0xFFFFFF80  }
0x88: {  	v9 =	vld [tilespmem:s26+$0x60]  }
0x89: {  	v10 =	vld [tilespmem:s26+$0x0]  }
0x8a: {  	v12 =	vld [tilespmem:s26+$0xFFFFFFA0]  }
0x8b: {  	v11 =	vld [tilespmem:s26+$0x20]  }
0x8c: {  	v13 =	vld [tilespmem:s26+$0xFFFFFFF0]  }
0x8d: {  	v14 =	vld [tilespmem:s26+$0x40]  }
0x8e: {  	v15 =	vld [tilespmem:s26+$0x10]  }
0x8f: {  	v16 =	vld [tilespmem:s26+$0xFFFFFFD0]  }
0x90: {  	v17 =	vld [tilespmem:s26+$0xFFFFFF90]  }
0x91: {  	v18 =	vld [tilespmem:s26+$0xFFFFFFE0];
	v9 =	vadd.s32 $0xFFFF3C80, v9  }
0x92: {  	v19 =	vld [tilespmem:s26+$0xFFFFFFC0];
	v13 =	vadd.s32 $0xFFFF3C80, v13;
	vm0 =	vgt.s32 v9, $0xFFFFFFFF  }
0x93: {  	v22 =	vld [tilespmem:s26+$0x50];
	v20 =	vadd.s32 $0xFFFF3C80, v11;
	vm3 =	vgt.s32 v13, $0xFFFFFFFF  }
0x94: {  	v11 =	vld [tilespmem:s26+$0xFFFFFF80];
	v21 =	vadd.s32 $0xFFFF3C80, v10;
	vm1 =	vgt.s32 v20, $0xFFFFFFFF  }
0x95: {  	v23 =	vld [tilespmem:s26+$0x70];
	v17 =	vadd.s32 $0xFFFF3C80, v17;
	vm2 =	vgt.s32 v21, $0xFFFFFFFF  }
0x96: {  	v25 =	vld [tilespmem:s26+$0x30];
	v18 =	vadd.s32 $0xFFFF3C80, v18;
	vm10 =	vgt.s32 v17, $0xFFFFFFFF  }
0x97: {  	s28 =	simm.s32 $0x0;
	v24 =	vld [tilespmem:s26+$0xFFFFFFB0];
	v16 =	vadd.s32 $0xFFFF3C80, v16;
	v27 =	vadd.s32 $0xFFFF3C80, v14;
	vm5 =	vgt.s32 v18, $0xFFFFFFFF  }
0x98: {  	v10 =	vmov s28;
	v29 =	vadd.s32 $0xFFFF3C80, v12;
	vm9 =	vgt.s32 v16, $0xFFFFFFFF;
	v9 =	vld.idx.msk [tilespmem:v9+s13+$0x0], vm0  }
0x99: {  	v10 =	vshrl.u32 v10, $0x7;
	vm4 =	vgt.s32 v27, $0xFFFFFFFF;
	v28 =	vadd.s32 $0xFFFF3C80, v11;
	v11 =	vld.idx.msk [tilespmem:v13+s13+$0x0], vm3  }
0x9a: {  	v61 =	vadd.s32 $0xFFFF3C80, v22;
	vm11 =	vgt.s32 v29, $0xFFFFFFFF;
	v12 =	vshll.u32 v10, v1;
	v10 =	vld.idx.msk [tilespmem:v20+s13+$0x0], vm1  }
0x9b: {  	v63 =	vadd.s32 $0xFFFF3C80, v19;
	vm6 =	vgt.s32 v61, $0xFFFFFFFF;
	v60 =	vbroadcast v12, $0x0;
	v12 =	vld.idx.msk [tilespmem:v21+s13+$0x0], vm2  }
0x9c: {  	s29 =	simm.s32 $0x80;
	v62 =	vadd.s32 $0xFFFF3C80, v15;
	vm13 =	vgt.s32 v63, $0xFFFFFFFF;
	v26 =	vld.idx.msk [tilespmem:v17+s13+$0x0], vm10  }
0x9d: {  	v38 =	vadd.s32 $0xFFFF3C80, v24;
	v15 =	vmov s29;
	vm14 =	vgt.s32 v28, $0xFFFFFFFF;
	v14 =	vld.idx.msk [tilespmem:v18+s13+$0x0], vm5  }
0x9e: {  	v37 =	vadd.s32 $0xFFFF3C80, v23;
	vm15 =	vgt.s32 v38, $0xFFFFFFFF;
	v15 =	vshrl.u32 v15, $0x7;
	v16 =	vld.idx.msk [tilespmem:v16+s13+$0x0], vm9  }
0x9f: {  	v30 =	vadd.s32 $0xFFFF3C80, v25;
	vm7 =	vgt.s32 v62, $0xFFFFFFFF;
	v25 =	vshll.u32 v15, v1;
	v13 =	vld.idx.msk [tilespmem:v27+s13+$0x0], vm4  }
0xa0: {  	s30 =	simm.s32 $0xA0;
	vm8 =	vgt.s32 v37, $0xFFFFFFFF;
	vm12 =	vgt.s32 v30, $0xFFFFFFFF;
	v25 =	vbroadcast v25, $0x0;
	v31 =	vld.idx.msk [tilespmem:v29+s13+$0x0], vm11  }
0xa1: {  	v19 =	vor.u32 v0, v60;
	v24 =	vor.u32 v3, v60;
	v17 =	vmov s30;
	v15 =	vld.idx.msk [tilespmem:v61+s13+$0x0], vm6  }
0xa2: {  	s31 =	simm.s32 $0x90;
	v22 =	vor.u32 v6, v60;
	v23 =	vor.u32 v7, v60;
	v32 =	vld.idx.msk [tilespmem:v63+s13+$0x0], vm13;
	v17 =	vshrl.u32 v17, $0x7  }
0xa3: {  	v20 =	vor.u32 v2, v60;
	v27 =	vmov s31;
	v33 =	vld.idx.msk [tilespmem:v28+s13+$0x0], vm14;
	v28 =	vshll.u32 v17, v1  }
0xa4: {  	v21 =	vor.u32 v4, v60;
	v34 =	vld.idx.msk [tilespmem:v38+s13+$0x0], vm15;
	v29 =	vshrl.u32 v27, $0x7;
	v39 =	vbroadcast v28, $0x0  }
0xa5: {  	s22 =	simm.s32 $0x2F0;
	s23 =	simm.s32 $0x180;
	s24 =	simm.s32 $0xB0;
	v18 =	vor.u32 v5, v60;
	v27 =	vor.u32 v8, v60;
	v29 =	vshll.u32 v29, v1;
	v17 =	vld.idx.msk [tilespmem:v62+s13+$0x0], vm7  }
0xa6: {  	s20 =	simm.s32 $0x180;
	s21 =	simm.s32 $0xF0;
	s19 =	simm.s32 $0x1F0;
	v35 =	vbroadcast v29, $0x0;
	v28 =	vor.u32 v0, v25;
	v25 =	vld.idx.msk [tilespmem:v37+s13+$0x0], vm8;
	v29 =	vor.u32 v3, v39  }
.LBB2_4:
0xa7: {  	p0 =	sne.s32 s22, $0x3FF0  }
0xa8: {  	s23 =	sadd.s32 $0x100, s23;
	v30 =	vld.idx.msk [tilespmem:v30+s13+$0x0], vm12;
	s25 =	smov.u32 s22;
	s22 =	sadd.s32 $0x100, s22  }
0xa9: {  	s26 =	sadd.s32 $0xFFFFFFD0, s21;
	[tilespmem:v19+s14+$0x0] =	vst.idx.msk vm14, v33;
	v19 =	vor.u32 v2, v35;
	v33 =	vmov s24  }
0xaa: {  	s24 =	sadd.s32 $0xFFFFFFE0, s21;
	[tilespmem:v20+s14+$0x0] =	vst.idx.msk vm10, v26;
	v20 =	vshrl.u32 v33, $0x7;
	v26 =	vmov s26;
	v33 =	vmov s21  }
0xab: {  	[tilespmem:v24+s14+$0x0] =	vst.idx.msk vm11, v31;
	v20 =	vshll.u32 v20, v1;
	v24 =	vshrl.u32 v26, $0x7;
	v26 =	vmov s24  }
0xac: {  	s24 =	sadd.s32 $0xFFFFFFF0, s21;
	s21 =	smov.u32 s19;
	s19 =	smov.u32 s25;
	[tilespmem:v21+s14+$0x0] =	vst.idx.msk vm15, v34;
	v20 =	vbroadcast v20, $0x0;
	v21 =	vshll.u32 v24, v1;
	v24 =	vshrl.u32 v33, $0x7  }
0xad: {  	[tilespmem:v18+s14+$0x0] =	vst.idx.msk vm13, v32;
	v18 =	vbroadcast v21, $0x0;
	v21 =	vshrl.u32 v26, $0x7;
	v26 =	vmov s24  }
0xae: {  	[tilespmem:v22+s14+$0x0] =	vst.idx.msk vm9, v16;
	v16 =	vor.u32 v4, v20;
	v20 =	vshll.u32 v21, v1;
	v21 =	vshrl.u32 v26, $0x7  }
0xaf: {  	[tilespmem:v23+s14+$0x0] =	vst.idx.msk vm5, v14;
	v14 =	vor.u32 v5, v18;
	v18 =	vbroadcast v20, $0x0;
	v20 =	vshll.u32 v21, v1  }
0xb0: {  	[tilespmem:v27+s14+$0x0] =	vst.idx.msk vm3, v11;
	v11 =	vbroadcast v20, $0x0;
	v20 =	vshll.u32 v24, v1  }
0xb1: {  	[tilespmem:v28+s14+$0x0] =	vst.idx.msk vm2, v12;
	v12 =	vor.u32 v6, v18;
	v18 =	vbroadcast v20, $0x0  }
0xb2: {  	[tilespmem:v19+s14+$0x0] =	vst.idx.msk vm7, v17;
	v11 =	vor.u32 v7, v11  }
0xb3: {  	[tilespmem:v29+s14+$0x0] =	vst.idx.msk vm1, v10;
	v10 =	vor.u32 v8, v18  }
0xb4: {  	[tilespmem:v16+s14+$0x0] =	vst.idx.msk vm12, v30  }
0xb5: {  	[tilespmem:v14+s14+$0x0] =	vst.idx.msk vm4, v13  }
0xb6: {  	[tilespmem:v12+s14+$0x0] =	vst.idx.msk vm6, v15  }
0xb7: {  	[tilespmem:v11+s14+$0x0] =	vst.idx.msk vm0, v9  }
0xb8: {  	[tilespmem:v10+s14+$0x0] =	vst.idx.msk vm8, v25  }
0xb9: {  	v9 =	vld [tilespmem:s20+$0x60]  }
0xba: {  	v10 =	vld [tilespmem:s20+$0x0]  }
0xbb: {  	v11 =	vld [tilespmem:s20+$0xFFFFFFA0]  }
0xbc: {  	v12 =	vld [tilespmem:s20+$0x20]  }
0xbd: {  	v13 =	vld [tilespmem:s20+$0xFFFFFFF0]  }
0xbe: {  	v14 =	vld [tilespmem:s20+$0x40]  }
0xbf: {  	v15 =	vadd.s32 $0xFFFF3C80, v10;
	v10 =	vld [tilespmem:s20+$0x10]  }
0xc0: {  	v9 =	vadd.s32 $0xFFFF3C80, v9;
	v17 =	vadd.s32 $0xFFFF3C80, v11;
	v11 =	vld [tilespmem:s20+$0xFFFFFFD0]  }
0xc1: {  	v16 =	vld [tilespmem:s20+$0xFFFFFF90];
	v12 =	vadd.s32 $0xFFFF3C80, v12  }
0xc2: {  	vm0 =	vgt.s32 v9, $0xFFFFFFFF;
	v18 =	vld [tilespmem:s20+$0xFFFFFFE0];
	v13 =	vadd.s32 $0xFFFF3C80, v13;
	vm1 =	vgt.s32 v12, $0xFFFFFFFF  }
0xc3: {  	v19 =	vld [tilespmem:s20+$0xFFFFFFC0];
	v23 =	vadd.s32 $0xFFFF3C80, v14  }
0xc4: {  	s24 =	sadd.s32 $0xFFFFFF10, s21;
	vm2 =	vgt.s32 v15, $0xFFFFFFFF;
	vm3 =	vgt.s32 v13, $0xFFFFFFFF;
	v14 =	vld [tilespmem:s20+$0xFFFFFF80];
	v25 =	vadd.s32 $0xFFFF3C80, v10  }
0xc5: {  	v22 =	vadd.s32 $0xFFFF3C80, v11;
	v10 =	vld [tilespmem:s20+$0x50];
	v11 =	vmov s24  }
0xc6: {  	vm11 =	vgt.s32 v17, $0xFFFFFFFF;
	v16 =	vadd.s32 $0xFFFF3C80, v16;
	v20 =	vld [tilespmem:s20+$0x70];
	v11 =	vshrl.u32 v11, $0x7  }
0xc7: {  	v18 =	vadd.s32 $0xFFFF3C80, v18;
	v21 =	vld [tilespmem:s20+$0x30];
	vm10 =	vgt.s32 v16, $0xFFFFFFFF;
	v11 =	vshll.u32 v11, v1  }
0xc8: {  	vm9 =	vgt.s32 v22, $0xFFFFFFFF;
	vm5 =	vgt.s32 v18, $0xFFFFFFFF;
	v9 =	vld.idx.msk [tilespmem:v9+s13+$0x0], vm0;
	v27 =	vbroadcast v11, $0x0  }
0xc9: {  	vm4 =	vgt.s32 v23, $0xFFFFFFFF;
	vm7 =	vgt.s32 v25, $0xFFFFFFFF;
	v29 =	vadd.s32 $0xFFFF3C80, v19;
	v28 =	vld [tilespmem:s20+$0xFFFFFFB0];
	s20 =	smov.u32 s23  }
0xca: {  	v31 =	vadd.s32 $0xFFFF3C80, v14;
	v32 =	vadd.s32 $0xFFFF3C80, v10;
	v11 =	vld.idx.msk [tilespmem:v13+s13+$0x0], vm3;
	v19 =	vor.u32 v0, v27  }
0xcb: {  	vm14 =	vgt.s32 v31, $0xFFFFFFFF;
	v36 =	vadd.s32 $0xFFFF3C80, v20;
	v10 =	vld.idx.msk [tilespmem:v12+s13+$0x0], vm1;
	v20 =	vor.u32 v2, v27  }
0xcc: {  	s24 =	sadd.s32 $0xFFFFFF90, s21;
	v24 =	vor.u32 v3, v27;
	vm6 =	vgt.s32 v32, $0xFFFFFFFF;
	vm8 =	vgt.s32 v36, $0xFFFFFFFF;
	v12 =	vld.idx.msk [tilespmem:v15+s13+$0x0], vm2  }
0xcd: {  	s25 =	sadd.s32 $0xFFFFFFA0, s21;
	v13 =	vmov s24;
	v30 =	vadd.s32 $0xFFFF3C80, v21;
	v21 =	vor.u32 v4, v27;
	v26 =	vld.idx.msk [tilespmem:v16+s13+$0x0], vm10  }
0xce: {  	s24 =	sadd.s32 $0xFFFFFFB0, s21;
	v13 =	vshrl.u32 v13, $0x7;
	v34 =	vadd.s32 $0xFFFF3C80, v28;
	v14 =	vld.idx.msk [tilespmem:v18+s13+$0x0], vm5;
	v18 =	vor.u32 v5, v27  }
0xcf: {  	vm13 =	vgt.s32 v29, $0xFFFFFFFF;
	v15 =	vshll.u32 v13, v1;
	v16 =	vld.idx.msk [tilespmem:v22+s13+$0x0], vm9;
	v22 =	vor.u32 v6, v27  }
0xd0: {  	v15 =	vbroadcast v15, $0x0;
	vm15 =	vgt.s32 v34, $0xFFFFFFFF;
	v13 =	vld.idx.msk [tilespmem:v23+s13+$0x0], vm4;
	v23 =	vor.u32 v7, v27  }
0xd1: {  	v35 =	vmov s25;
	v37 =	vmov s24;
	v27 =	vor.u32 v8, v27;
	v33 =	vld.idx.msk [tilespmem:v31+s13+$0x0], vm14  }
0xd2: {  	vm12 =	vgt.s32 v30, $0xFFFFFFFF;
	v28 =	vor.u32 v0, v15;
	v31 =	vld.idx.msk [tilespmem:v17+s13+$0x0], vm11;
	v17 =	vshrl.u32 v37, $0x7  }
.Ltmp1:
0xd3: {  	v15 =	vld.idx.msk [tilespmem:v32+s13+$0x0], vm6;
	v32 =	vshrl.u32 v35, $0x7;
	v35 =	vshll.u32 v17, v1;
	(pc) =	sbr.rel @p0 .LBB2_4-.Ltmp1, $4  }
0xd4: {  	v17 =	vld.idx.msk [tilespmem:v25+s13+$0x0], vm7;
	v25 =	vshll.u32 v32, v1;
	v37 =	vbroadcast v35, $0x0  }
0xd5: {  	v32 =	vld.idx.msk [tilespmem:v29+s13+$0x0], vm13;
	v35 =	vbroadcast v25, $0x0  }
0xd6: {  	v34 =	vld.idx.msk [tilespmem:v34+s13+$0x0], vm15;
	v29 =	vor.u32 v3, v37  }
0xd7: {  	s24 =	sadd.s32 $0xFFFFFFC0, s21;
	v25 =	vld.idx.msk [tilespmem:v36+s13+$0x0], vm8  }
0xd8: {  	_ =	sdelay $0x4  }
0xd9: {  	v30 =	vld.idx.msk [tilespmem:v30+s13+$0x0], vm12;
	s22 =	sadd.s32 $0xFFFFFFD0, s21;
	[tilespmem:v19+s14+$0x0] =	vst.idx.msk vm14, v33;
	v19 =	vmov s24  }
0xda: {  	v58 =	vor.u32 v2, v35;
	[tilespmem:v20+s14+$0x0] =	vst.idx.msk vm10, v26;
	v19 =	vshrl.u32 v19, $0x7;
	v20 =	vmov s22  }
0xdb: {  	s30 =	sadd.s32 $0xFFFFFFE0, s21;
	v26 =	vmov s21;
	[tilespmem:v24+s14+$0x0] =	vst.idx.msk vm11, v31;
	v19 =	vshll.u32 v19, v1;
	v20 =	vshrl.u32 v20, $0x7  }
0xdc: {  	s31 =	sadd.s32 $0xFFFFFFF0, s21;
	v24 =	vmov s30;
	[tilespmem:v21+s14+$0x0] =	vst.idx.msk vm15, v34;
	v19 =	vbroadcast v19, $0x0;
	v20 =	vshll.u32 v20, v1  }
0xdd: {  	v21 =	vshrl.u32 v26, $0x7;
	[tilespmem:v18+s14+$0x0] =	vst.idx.msk vm13, v32;
	v18 =	vshrl.u32 v24, $0x7;
	v24 =	vmov s31  }
0xde: {  	v20 =	vbroadcast v20, $0x0;
	[tilespmem:v22+s14+$0x0] =	vst.idx.msk vm9, v16;
	v16 =	vshll.u32 v18, v1;
	v18 =	vshrl.u32 v24, $0x7  }
0xdf: {  	v19 =	vor.u32 v4, v19;
	[tilespmem:v23+s14+$0x0] =	vst.idx.msk vm5, v14;
	v14 =	vbroadcast v16, $0x0;
	v16 =	vshll.u32 v18, v1  }
0xe0: {  	v18 =	vor.u32 v5, v20;
	[tilespmem:v27+s14+$0x0] =	vst.idx.msk vm3, v11;
	v11 =	vbroadcast v16, $0x0;
	v16 =	vshll.u32 v21, v1  }
0xe1: {  	[tilespmem:v28+s14+$0x0] =	vst.idx.msk vm2, v12;
	v12 =	vor.u32 v6, v14;
	v14 =	vbroadcast v16, $0x0  }
0xe2: {  	[tilespmem:v58+s14+$0x0] =	vst.idx.msk vm7, v17;
	v11 =	vor.u32 v7, v11  }
0xe3: {  	[tilespmem:v29+s14+$0x0] =	vst.idx.msk vm1, v10;
	v10 =	vor.u32 v8, v14  }
0xe4: {  	[tilespmem:v19+s14+$0x0] =	vst.idx.msk vm12, v30  }
0xe5: {  	[tilespmem:v18+s14+$0x0] =	vst.idx.msk vm4, v13  }
0xe6: {  	[tilespmem:v12+s14+$0x0] =	vst.idx.msk vm6, v15  }
0xe7: {  	[tilespmem:v11+s14+$0x0] =	vst.idx.msk vm0, v9  }
0xe8: {  	[tilespmem:v10+s14+$0x0] =	vst.idx.msk vm8, v25  }
0xe9: {  	v9 =	vld [tilespmem:s20+$0x60]  }
0xea: {  	v10 =	vld [tilespmem:s20+$0x0]  }
0xeb: {  	v11 =	vld [tilespmem:s20+$0xFFFFFFA0]  }
0xec: {  	v12 =	vld [tilespmem:s20+$0x20]  }
0xed: {  	v13 =	vld [tilespmem:s20+$0xFFFFFFF0]  }
0xee: {  	v14 =	vld [tilespmem:s20+$0x40]  }
0xef: {  	v15 =	vld [tilespmem:s20+$0x10]  }
0xf0: {  	v16 =	vld [tilespmem:s20+$0xFFFFFFD0]  }
0xf1: {  	v17 =	vld [tilespmem:s20+$0xFFFFFF90]  }
0xf2: {  	v18 =	vld [tilespmem:s20+$0xFFFFFFE0];
	v9 =	vadd.s32 $0xFFFF3C80, v9  }
0xf3: {  	v19 =	vld [tilespmem:s20+$0xFFFFFFC0];
	v13 =	vadd.s32 $0xFFFF3C80, v13;
	vm0 =	vgt.s32 v9, $0xFFFFFFFF  }
0xf4: {  	v20 =	vld [tilespmem:s20+$0xFFFFFF80];
	v12 =	vadd.s32 $0xFFFF3C80, v12;
	vm2 =	vgt.s32 v13, $0xFFFFFFFF  }
0xf5: {  	v21 =	vld [tilespmem:s20+$0x50];
	v10 =	vadd.s32 $0xFFFF3C80, v10;
	vm1 =	vgt.s32 v12, $0xFFFFFFFF  }
0xf6: {  	v22 =	vld [tilespmem:s20+$0x70];
	v17 =	vadd.s32 $0xFFFF3C80, v17;
	vm3 =	vgt.s32 v10, $0xFFFFFFFF  }
0xf7: {  	v23 =	vld [tilespmem:s20+$0x30];
	v18 =	vadd.s32 $0xFFFF3C80, v18;
	vm10 =	vgt.s32 v17, $0xFFFFFFFF  }
0xf8: {  	v24 =	vld [tilespmem:s20+$0xFFFFFFB0];
	v16 =	vadd.s32 $0xFFFF3C80, v16;
	vm5 =	vgt.s32 v18, $0xFFFFFFFF  }
0xf9: {  	v14 =	vadd.s32 $0xFFFF3C80, v14;
	vm7 =	vgt.s32 v16, $0xFFFFFFFF;
	v9 =	vld.idx.msk [tilespmem:v9+s13+$0x0], vm0  }
0xfa: {  	s23 =	sadd.s32 $0xFFFFFFB0, s19;
	v20 =	vadd.s32 $0xFFFF3C80, v20;
	vm4 =	vgt.s32 v14, $0xFFFFFFFF;
	v13 =	vld.idx.msk [tilespmem:v13+s13+$0x0], vm2  }
0xfb: {  	s24 =	sadd.s32 $0xFFFFFFA0, s19;
	v59 =	vmov s23;
	v11 =	vadd.s32 $0xFFFF3C80, v11;
	vm14 =	vgt.s32 v20, $0xFFFFFFFF;
	v12 =	vld.idx.msk [tilespmem:v12+s13+$0x0], vm1  }
0xfc: {  	v61 =	vmov s24;
	v21 =	vadd.s32 $0xFFFF3C80, v21;
	vm12 =	vgt.s32 v11, $0xFFFFFFFF;
	v10 =	vld.idx.msk [tilespmem:v10+s13+$0x0], vm3  }
0xfd: {  	s21 =	sadd.s32 $0xFFFFFF10, s19;
	v34 =	vshrl.u32 v61, $0x7;
	v15 =	vadd.s32 $0xFFFF3C80, v15;
	vm6 =	vgt.s32 v21, $0xFFFFFFFF;
	v17 =	vld.idx.msk [tilespmem:v17+s13+$0x0], vm10  }
0xfe: {  	v25 =	vmov s21;
	v19 =	vadd.s32 $0xFFFF3C80, v19;
	vm8 =	vgt.s32 v15, $0xFFFFFFFF;
	v18 =	vld.idx.msk [tilespmem:v18+s13+$0x0], vm5  }
0xff: {  	v25 =	vshrl.u32 v25, $0x7;
	v24 =	vadd.s32 $0xFFFF3C80, v24;
	vm13 =	vgt.s32 v19, $0xFFFFFFFF;
	v16 =	vld.idx.msk [tilespmem:v16+s13+$0x0], vm7  }
0x100: {  	v25 =	vshll.u32 v25, v1;
	v22 =	vadd.s32 $0xFFFF3C80, v22;
	vm15 =	vgt.s32 v24, $0xFFFFFFFF;
	v14 =	vld.idx.msk [tilespmem:v14+s13+$0x0], vm4  }
0x101: {  	s22 =	sadd.s32 $0xFFFFFF90, s19;
	v25 =	vbroadcast v25, $0x0;
	v23 =	vadd.s32 $0xFFFF3C80, v23;
	vm9 =	vgt.s32 v22, $0xFFFFFFFF;
	v20 =	vld.idx.msk [tilespmem:v20+s13+$0x0], vm14  }
0x102: {  	v32 =	vshrl.u32 v59, $0x7;
	v30 =	vmov s22;
	vm11 =	vgt.s32 v23, $0xFFFFFFFF;
	v11 =	vld.idx.msk [tilespmem:v11+s13+$0x0], vm12  }
0x103: {  	v32 =	vshll.u32 v32, v1;
	v30 =	vshrl.u32 v30, $0x7;
	v26 =	vor.u32 v0, v25;
	v21 =	vld.idx.msk [tilespmem:v21+s13+$0x0], vm6  }
0x104: {  	v32 =	vbroadcast v32, $0x0;
	v30 =	vshll.u32 v30, v1;
	v27 =	vor.u32 v2, v25;
	v15 =	vld.idx.msk [tilespmem:v15+s13+$0x0], vm8  }
0x105: {  	v34 =	vshll.u32 v34, v1;
	v30 =	vbroadcast v30, $0x0;
	v28 =	vor.u32 v3, v25;
	v19 =	vld.idx.msk [tilespmem:v19+s13+$0x0], vm13  }
0x106: {  	v34 =	vbroadcast v34, $0x0;
	v32 =	vor.u32 v3, v32;
	v29 =	vor.u32 v4, v25;
	v24 =	vld.idx.msk [tilespmem:v24+s13+$0x0], vm15  }
0x107: {  	s25 =	sadd.s32 $0xFFFFFFC0, s19;
	v30 =	vor.u32 v0, v30;
	v31 =	vor.u32 v5, v25;
	v60 =	vor.u32 v6, v25;
	v22 =	vld.idx.msk [tilespmem:v22+s13+$0x0], vm9  }
0x108: {  	s26 =	sadd.s32 $0xFFFFFFD0, s19;
	v62 =	vor.u32 v7, v25;
	v25 =	vor.u32 v8, v25;
	v23 =	vld.idx.msk [tilespmem:v23+s13+$0x0], vm11;
	[tilespmem:v26+s14+$0x0] =	vst.idx.msk vm14, v20;
	v20 =	vmov s25  }
0x109: {  	v26 =	vor.u32 v2, v34;
	[tilespmem:v27+s14+$0x0] =	vst.idx.msk vm10, v17;
	v17 =	vshrl.u32 v20, $0x7;
	v20 =	vmov s26  }
0x10a: {  	s28 =	sadd.s32 $0xFFFFFFE0, s19;
	v27 =	vmov s19;
	[tilespmem:v28+s14+$0x0] =	vst.idx.msk vm12, v11;
	v11 =	vshll.u32 v17, v1;
	v17 =	vshrl.u32 v20, $0x7  }
0x10b: {  	s29 =	sadd.s32 $0xFFFFFFF0, s19;
	v20 =	vmov s28;
	[tilespmem:v29+s14+$0x0] =	vst.idx.msk vm15, v24;
	v11 =	vbroadcast v11, $0x0;
	v17 =	vshll.u32 v17, v1  }
0x10c: {  	v24 =	vshrl.u32 v27, $0x7;
	[tilespmem:v31+s14+$0x0] =	vst.idx.msk vm13, v19;
	v19 =	vshrl.u32 v20, $0x7;
	v20 =	vmov s29  }
0x10d: {  	v17 =	vbroadcast v17, $0x0;
	[tilespmem:v60+s14+$0x0] =	vst.idx.msk vm7, v16;
	v16 =	vshll.u32 v19, v1;
	v19 =	vshrl.u32 v20, $0x7  }
0x10e: {  	v11 =	vor.u32 v4, v11;
	[tilespmem:v62+s14+$0x0] =	vst.idx.msk vm5, v18;
	v16 =	vbroadcast v16, $0x0;
	v18 =	vshll.u32 v19, v1  }
0x10f: {  	v17 =	vor.u32 v5, v17;
	[tilespmem:v25+s14+$0x0] =	vst.idx.msk vm2, v13;
	v13 =	vbroadcast v18, $0x0;
	v18 =	vshll.u32 v24, v1  }
0x110: {  	[tilespmem:v30+s14+$0x0] =	vst.idx.msk vm3, v10;
	v10 =	vor.u32 v6, v16;
	v16 =	vbroadcast v18, $0x0  }
0x111: {  	[tilespmem:v26+s14+$0x0] =	vst.idx.msk vm8, v15;
	v13 =	vor.u32 v7, v13  }
0x112: {  	[tilespmem:v32+s14+$0x0] =	vst.idx.msk vm1, v12;
	v12 =	vor.u32 v8, v16  }
0x113: {  	[tilespmem:v11+s14+$0x0] =	vst.idx.msk vm11, v23  }
0x114: {  	[tilespmem:v17+s14+$0x0] =	vst.idx.msk vm4, v14  }
0x115: {  	[tilespmem:v10+s14+$0x0] =	vst.idx.msk vm6, v21  }
0x116: {  	[tilespmem:v13+s14+$0x0] =	vst.idx.msk vm0, v9  }
0x117: {  	s19 =	simm.s32 $0x80;
	[tilespmem:v12+s14+$0x0] =	vst.idx.msk vm9, v22  }
0x118: {  	[hbm4b:s6+s19] =	stream.strided.scatter [tilespmem:s14], [sflag:$0x1], $0x4000, s12, s19, $0x38;
	[tilespmem:$0x14380] =	vst v63  }
0x119: {  	_ =	swait.ge [sflag:s11], $0x4000  }
0x11a: {  	[sflag:s11] =	ssyncset.done $0x0  }
0x11b: {  	[sflag:s11] =	ssyncadd.s32 $0xFFFFC000  }
0x11c: {  	[tilespmem:s13], [sflag:$0x1] =	stream.strided.gather [hbm4b:s7+s19], $0xC380, s12, s19, $0x38;
	[tilespmem:$0x14380] =	vst v63  }
0x11d: {  	_ =	swait.ge [sflag:s11], $0xC380  }
0x11e: {  	[sflag:s11] =	ssyncset.done $0x0  }
0x11f: {  	[sflag:s11] =	ssyncadd.s32 $0xFFFF3C80  }
0x120: {  	v9 =	vld [tilespmem:s19+$0xFFFFFFD0]  }
0x121: {  	v15 =	vld [tilespmem:s19+$0xFFFFFFE0]  }
0x122: {  	v14 =	vld [tilespmem:s19+$0x20]  }
0x123: {  	v11 =	vld [tilespmem:s19+$0x60]  }
0x124: {  	v10 =	vld [tilespmem:s19+$0x50]  }
0x125: {  	v12 =	vld [tilespmem:s19+$0x70]  }
0x126: {  	v16 =	vld [tilespmem:s19+$0xFFFFFF80]  }
0x127: {  	v17 =	vld [tilespmem:s19+$0xFFFFFF90]  }
0x128: {  	v23 =	vld [tilespmem:s19+$0xFFFFFFA0]  }
0x129: {  	v18 =	vld [tilespmem:s19+$0x40]  }
0x12a: {  	v25 =	vld [tilespmem:s19+$0x30];
	vm4 =	vlt.s32 v9, $0xC380  }
0x12b: {  	v19 =	vld [tilespmem:s19+$0xFFFFFFF0];
	vm0 =	vlt.s32 v12, $0xC380  }
0x12c: {  	v22 =	vld [tilespmem:s19+$0x0];
	vm11 =	vlt.s32 v16, $0xC380  }
0x12d: {  	v26 =	vld [tilespmem:s19+$0x10];
	vm1 =	vlt.s32 v10, $0xC380  }
0x12e: {  	v30 =	vld [tilespmem:s19+$0xFFFFFFB0];
	vm10 =	vlt.s32 v17, $0xC380  }
0x12f: {  	v24 =	vld [tilespmem:s19+$0xFFFFFFC0];
	vm3 =	vlt.s32 v11, $0xC380  }
0x130: {  	vm12 =	vlt.s32 v23, $0xC380;
	v13 =	vld.idx.msk [tilespmem:v9+s13+$0x0], vm4  }
0x131: {  	vm5 =	vlt.s32 v25, $0xC380;
	v9 =	vld.idx.msk [tilespmem:v12+s13+$0x0], vm0  }
0x132: {  	vm7 =	vlt.s32 v26, $0xC380;
	v20 =	vld.idx.msk [tilespmem:v16+s13+$0x0], vm11  }
0x133: {  	s30 =	simm.s32 $0x0;
	vm2 =	vlt.s32 v18, $0xC380;
	v10 =	vld.idx.msk [tilespmem:v10+s13+$0x0], vm1  }
0x134: {  	s23 =	simm.s32 $0x90;
	vm14 =	vlt.s32 v30, $0xC380;
	v12 =	vmov s30;
	v21 =	vld.idx.msk [tilespmem:v17+s13+$0x0], vm10  }
0x135: {  	v33 =	vmov s23;
	s31 =	simm.s32 $0x80;
	v11 =	vld.idx.msk [tilespmem:v11+s13+$0x0], vm3;
	v12 =	vshrl.u32 v12, $0x7  }
0x136: {  	v63 =	vmov s31;
	vm8 =	vlt.s32 v22, $0xC380;
	v23 =	vld.idx.msk [tilespmem:v23+s13+$0x0], vm12;
	v12 =	vshll.u32 v12, v1  }
0x137: {  	v32 =	vshrl.u32 v63, $0x7;
	vm9 =	vlt.s32 v19, $0xC380;
	v16 =	vld.idx.msk [tilespmem:v25+s13+$0x0], vm5;
	v31 =	vbroadcast v12, $0x0  }
0x138: {  	vm6 =	vlt.s32 v14, $0xC380;
	vm15 =	vlt.s32 v24, $0xC380;
	vm13 =	vlt.s32 v15, $0xC380;
	v17 =	vld.idx.msk [tilespmem:v26+s13+$0x0], vm7  }
0x139: {  	v12 =	vld.idx.msk [tilespmem:v18+s13+$0x0], vm2;
	v28 =	vor.u32 v0, v31;
	v18 =	vor.u32 v6, v31;
	v29 =	vor.u32 v2, v31  }
0x13a: {  	s22 =	simm.s32 $0xA0;
	s21 =	simm.s32 $0x1F0;
	s20 =	simm.s32 $0xF0;
	v30 =	vld.idx.msk [tilespmem:v30+s13+$0x0], vm14;
	v27 =	vor.u32 v3, v31;
	v25 =	vor.u32 v4, v31;
	v26 =	vor.u32 v5, v31  }
.LBB2_6:
0x13b: {  	p0 =	sne.s32 s21, $0x3FF0  }
0x13c: {  	v22 =	vld.idx.msk [tilespmem:v22+s13+$0x0], vm8;
	v32 =	vshll.u32 v32, v1;
	v33 =	vshrl.u32 v33, $0x7;
	v34 =	vmov s22;
	s19 =	sadd.s32 $0x100, s19;
	s22 =	smov.u32 s21;
	s21 =	sadd.s32 $0x100, s21  }
0x13d: {  	s23 =	sadd.s32 $0xFFFFFFC0, s20;
	v35 =	vor.u32 v7, v31;
	v19 =	vld.idx.msk [tilespmem:v19+s13+$0x0], vm9;
	v32 =	vbroadcast v32, $0x0;
	v33 =	vshll.u32 v33, v1  }
0x13e: {  	v31 =	vor.u32 v8, v31;
	v36 =	vmov s23;
	v24 =	vld.idx.msk [tilespmem:v24+s13+$0x0], vm15;
	v33 =	vbroadcast v33, $0x0  }
0x13f: {  	v34 =	vshrl.u32 v34, $0x7;
	v36 =	vshrl.u32 v36, $0x7;
	v15 =	vld.idx.msk [tilespmem:v15+s13+$0x0], vm13;
	v32 =	vor.u32 v0, v32  }
0x140: {  	v36 =	vshll.u32 v36, v1;
	v14 =	vld.idx.msk [tilespmem:v14+s13+$0x0], vm6;
	v33 =	vor.u32 v2, v33  }
0x141: {  	s23 =	sadd.s32 $0xFFFFFFD0, s20;
	[tilespmem:v28+s14+$0x0] =	vst.idx.msk vm11, v20;
	v20 =	vshll.u32 v34, v1;
	v28 =	vbroadcast v36, $0x0  }
0x142: {  	s24 =	sadd.s32 $0xFFFFFFE0, s20;
	[tilespmem:v29+s14+$0x0] =	vst.idx.msk vm10, v21;
	v20 =	vbroadcast v20, $0x0;
	v21 =	vmov s23  }
0x143: {  	s23 =	sadd.s32 $0xFFFFFFF0, s20;
	[tilespmem:v27+s14+$0x0] =	vst.idx.msk vm12, v23;
	v23 =	vor.u32 v4, v28;
	v21 =	vshrl.u32 v21, $0x7;
	v27 =	vmov s24  }
0x144: {  	[tilespmem:v25+s14+$0x0] =	vst.idx.msk vm14, v30;
	v20 =	vor.u32 v3, v20;
	v21 =	vshll.u32 v21, v1;
	v25 =	vshrl.u32 v27, $0x7  }
0x145: {  	[tilespmem:v26+s14+$0x0] =	vst.idx.msk vm15, v24;
	v21 =	vbroadcast v21, $0x0;
	v24 =	vshll.u32 v25, v1;
	v25 =	vmov s23  }
0x146: {  	[tilespmem:v18+s14+$0x0] =	vst.idx.msk vm4, v13;
	v13 =	vbroadcast v24, $0x0;
	v18 =	vshrl.u32 v25, $0x7;
	v24 =	vmov s20;
	s20 =	smov.u32 s22  }
0x147: {  	[tilespmem:v35+s14+$0x0] =	vst.idx.msk vm13, v15;
	v15 =	vor.u32 v5, v21;
	v18 =	vshll.u32 v18, v1;
	v21 =	vshrl.u32 v24, $0x7  }
0x148: {  	[tilespmem:v31+s14+$0x0] =	vst.idx.msk vm9, v19;
	v13 =	vor.u32 v6, v13;
	v18 =	vbroadcast v18, $0x0;
	v19 =	vshll.u32 v21, v1  }
0x149: {  	[tilespmem:v32+s14+$0x0] =	vst.idx.msk vm8, v22;
	v19 =	vbroadcast v19, $0x0  }
0x14a: {  	[tilespmem:v33+s14+$0x0] =	vst.idx.msk vm7, v17;
	v17 =	vor.u32 v7, v18  }
0x14b: {  	[tilespmem:v20+s14+$0x0] =	vst.idx.msk vm6, v14;
	v14 =	vor.u32 v8, v19  }
0x14c: {  	[tilespmem:v23+s14+$0x0] =	vst.idx.msk vm5, v16  }
0x14d: {  	[tilespmem:v15+s14+$0x0] =	vst.idx.msk vm2, v12  }
0x14e: {  	[tilespmem:v13+s14+$0x0] =	vst.idx.msk vm1, v10  }
0x14f: {  	[tilespmem:v17+s14+$0x0] =	vst.idx.msk vm3, v11  }
0x150: {  	[tilespmem:v14+s14+$0x0] =	vst.idx.msk vm0, v9  }
0x151: {  	v9 =	vld [tilespmem:s19+$0xFFFFFFD0]  }
0x152: {  	v15 =	vld [tilespmem:s19+$0xFFFFFFE0]  }
0x153: {  	v14 =	vld [tilespmem:s19+$0x20]  }
0x154: {  	v11 =	vld [tilespmem:s19+$0x60]  }
0x155: {  	v10 =	vld [tilespmem:s19+$0x50]  }
0x156: {  	v12 =	vld [tilespmem:s19+$0x70];
	vm4 =	vlt.s32 v9, $0xC380  }
0x157: {  	v16 =	vld [tilespmem:s19+$0xFFFFFF80]  }
0x158: {  	v17 =	vld [tilespmem:s19+$0xFFFFFF90]  }
0x159: {  	v23 =	vld [tilespmem:s19+$0xFFFFFFA0]  }
0x15a: {  	v18 =	vld [tilespmem:s19+$0x40]  }
0x15b: {  	v25 =	vld [tilespmem:s19+$0x30];
	vm0 =	vlt.s32 v12, $0xC380  }
0x15c: {  	vm1 =	vlt.s32 v10, $0xC380;
	v19 =	vld [tilespmem:s19+$0xFFFFFFF0]  }
0x15d: {  	vm11 =	vlt.s32 v16, $0xC380;
	v22 =	vld [tilespmem:s19+$0x0]  }
0x15e: {  	v26 =	vld [tilespmem:s19+$0x10]  }
0x15f: {  	vm10 =	vlt.s32 v17, $0xC380;
	vm2 =	vlt.s32 v18, $0xC380;
	v13 =	vld.idx.msk [tilespmem:v9+s13+$0x0], vm4  }
0x160: {  	vm6 =	vlt.s32 v14, $0xC380;
	vm3 =	vlt.s32 v11, $0xC380;
	v30 =	vld [tilespmem:s19+$0xFFFFFFB0];
	vm5 =	vlt.s32 v25, $0xC380  }
0x161: {  	s22 =	sadd.s32 $0xFFFFFF10, s20;
	v9 =	vld.idx.msk [tilespmem:v12+s13+$0x0], vm0  }
0x162: {  	vm12 =	vlt.s32 v23, $0xC380;
	v12 =	vmov s22;
	v24 =	vld [tilespmem:s19+$0xFFFFFFC0]  }
0x163: {  	vm8 =	vlt.s32 v22, $0xC380;
	v12 =	vshrl.u32 v12, $0x7;
	vm7 =	vlt.s32 v26, $0xC380;
	v20 =	vld.idx.msk [tilespmem:v16+s13+$0x0], vm11  }
0x164: {  	v12 =	vshll.u32 v12, v1;
	v10 =	vld.idx.msk [tilespmem:v10+s13+$0x0], vm1  }
0x165: {  	v31 =	vbroadcast v12, $0x0;
	vm14 =	vlt.s32 v30, $0xC380;
	v21 =	vld.idx.msk [tilespmem:v17+s13+$0x0], vm10  }
0x166: {  	vm9 =	vlt.s32 v19, $0xC380;
	v12 =	vld.idx.msk [tilespmem:v18+s13+$0x0], vm2  }
.Ltmp2:
0x167: {  	v28 =	vor.u32 v0, v31;
	v18 =	vor.u32 v6, v31;
	v11 =	vld.idx.msk [tilespmem:v11+s13+$0x0], vm3;
	(pc) =	sbr.rel @p0 .LBB2_6-.Ltmp2, $4  }
0x168: {  	vm13 =	vlt.s32 v15, $0xC380;
	v29 =	vor.u32 v2, v31;
	vm15 =	vlt.s32 v24, $0xC380;
	v23 =	vld.idx.msk [tilespmem:v23+s13+$0x0], vm12  }
0x169: {  	s22 =	sadd.s32 $0xFFFFFF90, s20;
	v27 =	vor.u32 v3, v31;
	v16 =	vld.idx.msk [tilespmem:v25+s13+$0x0], vm5  }
0x16a: {  	s23 =	sadd.s32 $0xFFFFFFA0, s20;
	v32 =	vmov s22;
	v25 =	vor.u32 v4, v31;
	v17 =	vld.idx.msk [tilespmem:v26+s13+$0x0], vm7  }
0x16b: {  	v33 =	vmov s23;
	s22 =	sadd.s32 $0xFFFFFFB0, s20;
	v32 =	vshrl.u32 v32, $0x7;
	v26 =	vor.u32 v5, v31;
	v30 =	vld.idx.msk [tilespmem:v30+s13+$0x0], vm14  }
0x16c: {  	_ =	sdelay $0x4  }
0x16d: {  	v22 =	vld.idx.msk [tilespmem:v22+s13+$0x0], vm8  }
0x16e: {  	v19 =	vld.idx.msk [tilespmem:v19+s13+$0x0], vm9  }
0x16f: {  	v32 =	vshll.u32 v32, v1;
	v33 =	vshrl.u32 v33, $0x7;
	v24 =	vld.idx.msk [tilespmem:v24+s13+$0x0], vm15  }
0x170: {  	s19 =	sadd.s32 $0xFFFFFFC0, s20;
	v34 =	vmov s22;
	v35 =	vor.u32 v7, v31;
	v15 =	vld.idx.msk [tilespmem:v15+s13+$0x0], vm13;
	v31 =	vor.u32 v8, v31  }
0x171: {  	v14 =	vld.idx.msk [tilespmem:v14+s13+$0x0], vm6;
	s23 =	sadd.s32 $0xFFFFFFD0, s20;
	[tilespmem:v28+s14+$0x0] =	vst.idx.msk vm11, v20;
	v36 =	vmov s19;
	v32 =	vbroadcast v32, $0x0;
	v33 =	vshll.u32 v33, v1  }
0x172: {  	v34 =	vshrl.u32 v34, $0x7;
	[tilespmem:v29+s14+$0x0] =	vst.idx.msk vm10, v21;
	v21 =	vmov s23;
	v36 =	vshrl.u32 v36, $0x7  }
0x173: {  	s24 =	sadd.s32 $0xFFFFFFE0, s20;
	v33 =	vbroadcast v33, $0x0;
	v20 =	vshll.u32 v34, v1;
	v21 =	vshrl.u32 v21, $0x7  }
0x174: {  	[tilespmem:v27+s14+$0x0] =	vst.idx.msk vm12, v23;
	v27 =	vmov s24;
	v36 =	vshll.u32 v36, v1;
	v32 =	vor.u32 v0, v32  }
0x175: {  	v20 =	vbroadcast v20, $0x0;
	v21 =	vshll.u32 v21, v1;
	v28 =	vbroadcast v36, $0x0  }
0x176: {  	s21 =	sadd.s32 $0xFFFFFFF0, s20;
	v29 =	vor.u32 v2, v33;
	[tilespmem:v25+s14+$0x0] =	vst.idx.msk vm14, v30;
	v25 =	vshrl.u32 v27, $0x7;
	v21 =	vbroadcast v21, $0x0  }
0x177: {  	v20 =	vor.u32 v3, v20;
	[tilespmem:v26+s14+$0x0] =	vst.idx.msk vm15, v24;
	v24 =	vmov s21;
	v25 =	vshll.u32 v25, v1  }
0x178: {  	v23 =	vor.u32 v4, v28;
	[tilespmem:v18+s14+$0x0] =	vst.idx.msk vm4, v13;
	v13 =	vshrl.u32 v24, $0x7;
	v18 =	vmov s20  }
0x179: {  	v24 =	vbroadcast v25, $0x0;
	[tilespmem:v35+s14+$0x0] =	vst.idx.msk vm13, v15;
	v13 =	vshll.u32 v13, v1;
	v15 =	vshrl.u32 v18, $0x7  }
0x17a: {  	v18 =	vor.u32 v5, v21;
	[tilespmem:v31+s14+$0x0] =	vst.idx.msk vm9, v19;
	v13 =	vbroadcast v13, $0x0;
	v15 =	vshll.u32 v15, v1  }
0x17b: {  	v19 =	vor.u32 v6, v24;
	[tilespmem:v32+s14+$0x0] =	vst.idx.msk vm8, v22;
	v15 =	vbroadcast v15, $0x0  }
0x17c: {  	[tilespmem:v29+s14+$0x0] =	vst.idx.msk vm7, v17;
	v13 =	vor.u32 v7, v13  }
0x17d: {  	[tilespmem:v20+s14+$0x0] =	vst.idx.msk vm6, v14;
	v14 =	vor.u32 v8, v15  }
0x17e: {  	[tilespmem:v23+s14+$0x0] =	vst.idx.msk vm5, v16  }
0x17f: {  	[tilespmem:v18+s14+$0x0] =	vst.idx.msk vm2, v12  }
0x180: {  	[tilespmem:v19+s14+$0x0] =	vst.idx.msk vm1, v10  }
0x181: {  	[tilespmem:v13+s14+$0x0] =	vst.idx.msk vm3, v11  }
0x182: {  	s25 =	sadd.s32 $0xC380, s7;
	s26 =	simm.s32 $0x80;
	[tilespmem:v14+s14+$0x0] =	vst.idx.msk vm0, v9  }
0x183: {  	[tilespmem:s13], [sflag:$0x1] =	stream.strided.gather [hbm4b:s25+s26], $0xC300, s12, s26, $0x38;
	[tilespmem:$0x14380] =	vst v63  }
0x184: {  	_ =	swait.ge [sflag:s11], $0xC300  }
0x185: {  	[sflag:s11] =	ssyncset.done $0x0  }
0x186: {  	[sflag:s11] =	ssyncadd.s32 $0xFFFF3D00  }
0x187: {  	[tilespmem:s16], [sflag:$0x1] =	stream.linear.gather [hbm4b:s8+s2], $0x80, $0x38;
	[tilespmem:$0x14380] =	vst v63  }
0x188: {  	_ =	swait.ge [sflag:s11], $0x80  }
0x189: {  	[sflag:s11] =	ssyncset.done $0x0  }
0x18a: {  	[sflag:s11] =	ssyncadd.s32 $0xFFFFFF80  }
0x18b: {  	v9 =	vld [tilespmem:s26+$0x60]  }
0x18c: {  	v10 =	vld [tilespmem:s26+$0x0]  }
0x18d: {  	v12 =	vld [tilespmem:s26+$0xFFFFFFA0]  }
0x18e: {  	v11 =	vld [tilespmem:s26+$0x20]  }
0x18f: {  	v13 =	vld [tilespmem:s26+$0xFFFFFFF0]  }
0x190: {  	v14 =	vld [tilespmem:s26+$0x40]  }
0x191: {  	v15 =	vld [tilespmem:s26+$0x10]  }
0x192: {  	v16 =	vld [tilespmem:s26+$0xFFFFFFD0]  }
0x193: {  	v17 =	vld [tilespmem:s26+$0xFFFFFF90]  }
0x194: {  	v18 =	vld [tilespmem:s26+$0xFFFFFFE0];
	v9 =	vadd.s32 $0xFFFF3C80, v9  }
0x195: {  	v19 =	vld [tilespmem:s26+$0xFFFFFFC0];
	v13 =	vadd.s32 $0xFFFF3C80, v13;
	vm0 =	vgt.s32 v9, $0xFFFFFFFF  }
0x196: {  	v22 =	vld [tilespmem:s26+$0x50];
	v20 =	vadd.s32 $0xFFFF3C80, v11;
	vm3 =	vgt.s32 v13, $0xFFFFFFFF  }
0x197: {  	v11 =	vld [tilespmem:s26+$0xFFFFFF80];
	v21 =	vadd.s32 $0xFFFF3C80, v10;
	vm1 =	vgt.s32 v20, $0xFFFFFFFF  }
0x198: {  	v23 =	vld [tilespmem:s26+$0x70];
	v17 =	vadd.s32 $0xFFFF3C80, v17;
	vm2 =	vgt.s32 v21, $0xFFFFFFFF  }
0x199: {  	v25 =	vld [tilespmem:s26+$0x30];
	v18 =	vadd.s32 $0xFFFF3C80, v18;
	vm10 =	vgt.s32 v17, $0xFFFFFFFF  }
0x19a: {  	s28 =	simm.s32 $0x0;
	v24 =	vld [tilespmem:s26+$0xFFFFFFB0];
	v16 =	vadd.s32 $0xFFFF3C80, v16;
	v27 =	vadd.s32 $0xFFFF3C80, v14;
	vm5 =	vgt.s32 v18, $0xFFFFFFFF  }
0x19b: {  	v10 =	vmov s28;
	v29 =	vadd.s32 $0xFFFF3C80, v12;
	vm9 =	vgt.s32 v16, $0xFFFFFFFF;
	v9 =	vld.idx.msk [tilespmem:v9+s13+$0x0], vm0  }
0x19c: {  	v10 =	vshrl.u32 v10, $0x7;
	vm4 =	vgt.s32 v27, $0xFFFFFFFF;
	v28 =	vadd.s32 $0xFFFF3C80, v11;
	v11 =	vld.idx.msk [tilespmem:v13+s13+$0x0], vm3  }
0x19d: {  	v61 =	vadd.s32 $0xFFFF3C80, v22;
	vm11 =	vgt.s32 v29, $0xFFFFFFFF;
	v12 =	vshll.u32 v10, v1;
	v10 =	vld.idx.msk [tilespmem:v20+s13+$0x0], vm1  }
0x19e: {  	v63 =	vadd.s32 $0xFFFF3C80, v19;
	vm6 =	vgt.s32 v61, $0xFFFFFFFF;
	v60 =	vbroadcast v12, $0x0;
	v12 =	vld.idx.msk [tilespmem:v21+s13+$0x0], vm2  }
0x19f: {  	s29 =	simm.s32 $0x80;
	v62 =	vadd.s32 $0xFFFF3C80, v15;
	vm13 =	vgt.s32 v63, $0xFFFFFFFF;
	v26 =	vld.idx.msk [tilespmem:v17+s13+$0x0], vm10  }
0x1a0: {  	v38 =	vadd.s32 $0xFFFF3C80, v24;
	v15 =	vmov s29;
	vm14 =	vgt.s32 v28, $0xFFFFFFFF;
	v14 =	vld.idx.msk [tilespmem:v18+s13+$0x0], vm5  }
0x1a1: {  	v37 =	vadd.s32 $0xFFFF3C80, v23;
	vm15 =	vgt.s32 v38, $0xFFFFFFFF;
	v15 =	vshrl.u32 v15, $0x7;
	v16 =	vld.idx.msk [tilespmem:v16+s13+$0x0], vm9  }
0x1a2: {  	v30 =	vadd.s32 $0xFFFF3C80, v25;
	vm7 =	vgt.s32 v62, $0xFFFFFFFF;
	v25 =	vshll.u32 v15, v1;
	v13 =	vld.idx.msk [tilespmem:v27+s13+$0x0], vm4  }
0x1a3: {  	s30 =	simm.s32 $0xA0;
	vm8 =	vgt.s32 v37, $0xFFFFFFFF;
	vm12 =	vgt.s32 v30, $0xFFFFFFFF;
	v25 =	vbroadcast v25, $0x0;
	v31 =	vld.idx.msk [tilespmem:v29+s13+$0x0], vm11  }
0x1a4: {  	v19 =	vor.u32 v0, v60;
	v24 =	vor.u32 v3, v60;
	v17 =	vmov s30;
	v15 =	vld.idx.msk [tilespmem:v61+s13+$0x0], vm6  }
0x1a5: {  	s31 =	simm.s32 $0x90;
	v22 =	vor.u32 v6, v60;
	v23 =	vor.u32 v7, v60;
	v32 =	vld.idx.msk [tilespmem:v63+s13+$0x0], vm13;
	v17 =	vshrl.u32 v17, $0x7  }
0x1a6: {  	v20 =	vor.u32 v2, v60;
	v27 =	vmov s31;
	v33 =	vld.idx.msk [tilespmem:v28+s13+$0x0], vm14;
	v28 =	vshll.u32 v17, v1  }
0x1a7: {  	v21 =	vor.u32 v4, v60;
	v34 =	vld.idx.msk [tilespmem:v38+s13+$0x0], vm15;
	v29 =	vshrl.u32 v27, $0x7;
	v39 =	vbroadcast v28, $0x0  }
0x1a8: {  	s22 =	simm.s32 $0x2F0;
	s19 =	simm.s32 $0x1F0;
	s23 =	simm.s32 $0x180;
	v18 =	vor.u32 v5, v60;
	v27 =	vor.u32 v8, v60;
	v29 =	vshll.u32 v29, v1;
	v17 =	vld.idx.msk [tilespmem:v62+s13+$0x0], vm7  }
0x1a9: {  	s24 =	simm.s32 $0xB0;
	s21 =	simm.s32 $0xF0;
	s20 =	simm.s32 $0x180;
	v35 =	vbroadcast v29, $0x0;
	v28 =	vor.u32 v0, v25;
	v25 =	vld.idx.msk [tilespmem:v37+s13+$0x0], vm8;
	v29 =	vor.u32 v3, v39  }
.LBB2_8:
0x1aa: {  	p0 =	sne.s32 s22, $0x3FF0  }
0x1ab: {  	s23 =	sadd.s32 $0x100, s23;
	v30 =	vld.idx.msk [tilespmem:v30+s13+$0x0], vm12;
	s25 =	smov.u32 s22;
	s22 =	sadd.s32 $0x100, s22  }
0x1ac: {  	s26 =	sadd.s32 $0xFFFFFFD0, s21;
	[tilespmem:v19+s14+$0x0] =	vst.idx.msk vm14, v33;
	v19 =	vor.u32 v2, v35;
	v33 =	vmov s24  }
0x1ad: {  	s24 =	sadd.s32 $0xFFFFFFE0, s21;
	[tilespmem:v20+s14+$0x0] =	vst.idx.msk vm10, v26;
	v20 =	vshrl.u32 v33, $0x7;
	v26 =	vmov s26;
	v33 =	vmov s21  }
0x1ae: {  	[tilespmem:v24+s14+$0x0] =	vst.idx.msk vm11, v31;
	v20 =	vshll.u32 v20, v1;
	v24 =	vshrl.u32 v26, $0x7;
	v26 =	vmov s24  }
0x1af: {  	s24 =	sadd.s32 $0xFFFFFFF0, s21;
	s21 =	smov.u32 s19;
	s19 =	smov.u32 s25;
	[tilespmem:v21+s14+$0x0] =	vst.idx.msk vm15, v34;
	v20 =	vbroadcast v20, $0x0;
	v21 =	vshll.u32 v24, v1;
	v24 =	vshrl.u32 v33, $0x7  }
0x1b0: {  	[tilespmem:v18+s14+$0x0] =	vst.idx.msk vm13, v32;
	v18 =	vbroadcast v21, $0x0;
	v21 =	vshrl.u32 v26, $0x7;
	v26 =	vmov s24  }
0x1b1: {  	[tilespmem:v22+s14+$0x0] =	vst.idx.msk vm9, v16;
	v16 =	vor.u32 v4, v20;
	v20 =	vshll.u32 v21, v1;
	v21 =	vshrl.u32 v26, $0x7  }
0x1b2: {  	[tilespmem:v23+s14+$0x0] =	vst.idx.msk vm5, v14;
	v14 =	vor.u32 v5, v18;
	v18 =	vbroadcast v20, $0x0;
	v20 =	vshll.u32 v21, v1  }
0x1b3: {  	[tilespmem:v27+s14+$0x0] =	vst.idx.msk vm3, v11;
	v11 =	vbroadcast v20, $0x0;
	v20 =	vshll.u32 v24, v1  }
0x1b4: {  	[tilespmem:v28+s14+$0x0] =	vst.idx.msk vm2, v12;
	v12 =	vor.u32 v6, v18;
	v18 =	vbroadcast v20, $0x0  }
0x1b5: {  	[tilespmem:v19+s14+$0x0] =	vst.idx.msk vm7, v17;
	v11 =	vor.u32 v7, v11  }
0x1b6: {  	[tilespmem:v29+s14+$0x0] =	vst.idx.msk vm1, v10;
	v10 =	vor.u32 v8, v18  }
0x1b7: {  	[tilespmem:v16+s14+$0x0] =	vst.idx.msk vm12, v30  }
0x1b8: {  	[tilespmem:v14+s14+$0x0] =	vst.idx.msk vm4, v13  }
0x1b9: {  	[tilespmem:v12+s14+$0x0] =	vst.idx.msk vm6, v15  }
0x1ba: {  	[tilespmem:v11+s14+$0x0] =	vst.idx.msk vm0, v9  }
0x1bb: {  	[tilespmem:v10+s14+$0x0] =	vst.idx.msk vm8, v25  }
0x1bc: {  	v9 =	vld [tilespmem:s20+$0x60]  }
0x1bd: {  	v10 =	vld [tilespmem:s20+$0x0]  }
0x1be: {  	v11 =	vld [tilespmem:s20+$0xFFFFFFA0]  }
0x1bf: {  	v12 =	vld [tilespmem:s20+$0x20]  }
0x1c0: {  	v13 =	vld [tilespmem:s20+$0xFFFFFFF0]  }
0x1c1: {  	v14 =	vld [tilespmem:s20+$0x40]  }
0x1c2: {  	v15 =	vadd.s32 $0xFFFF3C80, v10;
	v10 =	vld [tilespmem:s20+$0x10]  }
0x1c3: {  	v9 =	vadd.s32 $0xFFFF3C80, v9;
	v17 =	vadd.s32 $0xFFFF3C80, v11;
	v11 =	vld [tilespmem:s20+$0xFFFFFFD0]  }
0x1c4: {  	v16 =	vld [tilespmem:s20+$0xFFFFFF90];
	v12 =	vadd.s32 $0xFFFF3C80, v12  }
0x1c5: {  	vm0 =	vgt.s32 v9, $0xFFFFFFFF;
	v18 =	vld [tilespmem:s20+$0xFFFFFFE0];
	v13 =	vadd.s32 $0xFFFF3C80, v13;
	vm1 =	vgt.s32 v12, $0xFFFFFFFF  }
0x1c6: {  	v19 =	vld [tilespmem:s20+$0xFFFFFFC0];
	v23 =	vadd.s32 $0xFFFF3C80, v14  }
0x1c7: {  	s24 =	sadd.s32 $0xFFFFFF10, s21;
	vm2 =	vgt.s32 v15, $0xFFFFFFFF;
	vm3 =	vgt.s32 v13, $0xFFFFFFFF;
	v14 =	vld [tilespmem:s20+$0xFFFFFF80];
	v25 =	vadd.s32 $0xFFFF3C80, v10  }
0x1c8: {  	v22 =	vadd.s32 $0xFFFF3C80, v11;
	v10 =	vld [tilespmem:s20+$0x50];
	v11 =	vmov s24  }
0x1c9: {  	vm11 =	vgt.s32 v17, $0xFFFFFFFF;
	v16 =	vadd.s32 $0xFFFF3C80, v16;
	v20 =	vld [tilespmem:s20+$0x70];
	v11 =	vshrl.u32 v11, $0x7  }
0x1ca: {  	v18 =	vadd.s32 $0xFFFF3C80, v18;
	v21 =	vld [tilespmem:s20+$0x30];
	vm10 =	vgt.s32 v16, $0xFFFFFFFF;
	v11 =	vshll.u32 v11, v1  }
0x1cb: {  	vm9 =	vgt.s32 v22, $0xFFFFFFFF;
	vm5 =	vgt.s32 v18, $0xFFFFFFFF;
	v9 =	vld.idx.msk [tilespmem:v9+s13+$0x0], vm0;
	v27 =	vbroadcast v11, $0x0  }
0x1cc: {  	vm4 =	vgt.s32 v23, $0xFFFFFFFF;
	vm7 =	vgt.s32 v25, $0xFFFFFFFF;
	v29 =	vadd.s32 $0xFFFF3C80, v19;
	v28 =	vld [tilespmem:s20+$0xFFFFFFB0];
	s20 =	smov.u32 s23  }
0x1cd: {  	v31 =	vadd.s32 $0xFFFF3C80, v14;
	v32 =	vadd.s32 $0xFFFF3C80, v10;
	v11 =	vld.idx.msk [tilespmem:v13+s13+$0x0], vm3;
	v19 =	vor.u32 v0, v27  }
0x1ce: {  	vm14 =	vgt.s32 v31, $0xFFFFFFFF;
	v36 =	vadd.s32 $0xFFFF3C80, v20;
	v10 =	vld.idx.msk [tilespmem:v12+s13+$0x0], vm1;
	v20 =	vor.u32 v2, v27  }
0x1cf: {  	s24 =	sadd.s32 $0xFFFFFF90, s21;
	v24 =	vor.u32 v3, v27;
	vm6 =	vgt.s32 v32, $0xFFFFFFFF;
	vm8 =	vgt.s32 v36, $0xFFFFFFFF;
	v12 =	vld.idx.msk [tilespmem:v15+s13+$0x0], vm2  }
0x1d0: {  	s25 =	sadd.s32 $0xFFFFFFA0, s21;
	v13 =	vmov s24;
	v30 =	vadd.s32 $0xFFFF3C80, v21;
	v21 =	vor.u32 v4, v27;
	v26 =	vld.idx.msk [tilespmem:v16+s13+$0x0], vm10  }
0x1d1: {  	s24 =	sadd.s32 $0xFFFFFFB0, s21;
	v13 =	vshrl.u32 v13, $0x7;
	v34 =	vadd.s32 $0xFFFF3C80, v28;
	v14 =	vld.idx.msk [tilespmem:v18+s13+$0x0], vm5;
	v18 =	vor.u32 v5, v27  }
0x1d2: {  	vm13 =	vgt.s32 v29, $0xFFFFFFFF;
	v15 =	vshll.u32 v13, v1;
	v16 =	vld.idx.msk [tilespmem:v22+s13+$0x0], vm9;
	v22 =	vor.u32 v6, v27  }
0x1d3: {  	v15 =	vbroadcast v15, $0x0;
	vm15 =	vgt.s32 v34, $0xFFFFFFFF;
	v13 =	vld.idx.msk [tilespmem:v23+s13+$0x0], vm4;
	v23 =	vor.u32 v7, v27  }
0x1d4: {  	v35 =	vmov s25;
	v37 =	vmov s24;
	v27 =	vor.u32 v8, v27;
	v33 =	vld.idx.msk [tilespmem:v31+s13+$0x0], vm14  }
0x1d5: {  	vm12 =	vgt.s32 v30, $0xFFFFFFFF;
	v28 =	vor.u32 v0, v15;
	v31 =	vld.idx.msk [tilespmem:v17+s13+$0x0], vm11;
	v17 =	vshrl.u32 v37, $0x7  }
.Ltmp3:
0x1d6: {  	v15 =	vld.idx.msk [tilespmem:v32+s13+$0x0], vm6;
	v32 =	vshrl.u32 v35, $0x7;
	v35 =	vshll.u32 v17, v1;
	(pc) =	sbr.rel @p0 .LBB2_8-.Ltmp3, $4  }
0x1d7: {  	v17 =	vld.idx.msk [tilespmem:v25+s13+$0x0], vm7;
	v25 =	vshll.u32 v32, v1;
	v37 =	vbroadcast v35, $0x0  }
0x1d8: {  	v32 =	vld.idx.msk [tilespmem:v29+s13+$0x0], vm13;
	v35 =	vbroadcast v25, $0x0  }
0x1d9: {  	v34 =	vld.idx.msk [tilespmem:v34+s13+$0x0], vm15;
	v29 =	vor.u32 v3, v37  }
0x1da: {  	s24 =	sadd.s32 $0xFFFFFFC0, s21;
	v25 =	vld.idx.msk [tilespmem:v36+s13+$0x0], vm8  }
0x1db: {  	_ =	sdelay $0x4  }
0x1dc: {  	v30 =	vld.idx.msk [tilespmem:v30+s13+$0x0], vm12;
	[tilespmem:v19+s14+$0x0] =	vst.idx.msk vm14, v33;
	v54 =	vmov s24  }
0x1dd: {  	s22 =	sadd.s32 $0xFFFFFFD0, s21;
	v55 =	vor.u32 v2, v35;
	s31 =	sadd.s32 $0xFFFFFFE0, s21;
	v57 =	vmov s21;
	[tilespmem:v20+s14+$0x0] =	vst.idx.msk vm10, v26;
	v19 =	vshrl.u32 v54, $0x7  }
0x1de: {  	v56 =	vmov s22;
	v58 =	vmov s31;
	v59 =	vshrl.u32 v57, $0x7;
	[tilespmem:v24+s14+$0x0] =	vst.idx.msk vm11, v31  }
0x1df: {  	s22 =	sadd.s32 $0xFFFFFFF0, s21;
	v19 =	vshll.u32 v19, v1;
	v20 =	vshrl.u32 v56, $0x7;
	v60 =	vshrl.u32 v58, $0x7;
	[tilespmem:v21+s14+$0x0] =	vst.idx.msk vm15, v34  }
0x1e0: {  	v61 =	vmov s22;
	v19 =	vbroadcast v19, $0x0;
	v20 =	vshll.u32 v20, v1;
	[tilespmem:v18+s14+$0x0] =	vst.idx.msk vm13, v32  }
0x1e1: {  	v62 =	vshll.u32 v60, v1;
	v63 =	vshrl.u32 v61, $0x7;
	v20 =	vbroadcast v20, $0x0;
	[tilespmem:v22+s14+$0x0] =	vst.idx.msk vm9, v16  }
0x1e2: {  	v19 =	vor.u32 v4, v19;
	v22 =	vbroadcast v62, $0x0;
	[tilespmem:v23+s14+$0x0] =	vst.idx.msk vm5, v14;
	v23 =	vshll.u32 v63, v1  }
0x1e3: {  	v26 =	vshll.u32 v59, v1;
	v24 =	vor.u32 v5, v20;
	[tilespmem:v27+s14+$0x0] =	vst.idx.msk vm3, v11;
	v11 =	vbroadcast v23, $0x0  }
0x1e4: {  	v27 =	vor.u32 v6, v22;
	[tilespmem:v28+s14+$0x0] =	vst.idx.msk vm2, v12;
	v28 =	vbroadcast v26, $0x0  }
0x1e5: {  	[tilespmem:v55+s14+$0x0] =	vst.idx.msk vm7, v17;
	v11 =	vor.u32 v7, v11  }
0x1e6: {  	[tilespmem:v29+s14+$0x0] =	vst.idx.msk vm1, v10;
	v10 =	vor.u32 v8, v28  }
0x1e7: {  	[tilespmem:v19+s14+$0x0] =	vst.idx.msk vm12, v30  }
0x1e8: {  	[tilespmem:v24+s14+$0x0] =	vst.idx.msk vm4, v13  }
0x1e9: {  	[tilespmem:v27+s14+$0x0] =	vst.idx.msk vm6, v15  }
0x1ea: {  	[tilespmem:v11+s14+$0x0] =	vst.idx.msk vm0, v9  }
0x1eb: {  	[tilespmem:v10+s14+$0x0] =	vst.idx.msk vm8, v25  }
0x1ec: {  	v9 =	vld [tilespmem:s20+$0x60]  }
0x1ed: {  	v10 =	vld [tilespmem:s20+$0x0]  }
0x1ee: {  	v11 =	vld [tilespmem:s20+$0xFFFFFFA0]  }
0x1ef: {  	v12 =	vld [tilespmem:s20+$0x20]  }
0x1f0: {  	v13 =	vld [tilespmem:s20+$0xFFFFFFF0]  }
0x1f1: {  	v31 =	vld [tilespmem:s20+$0x40]  }
0x1f2: {  	v15 =	vld [tilespmem:s20+$0x10]  }
0x1f3: {  	v32 =	vld [tilespmem:s20+$0xFFFFFFD0]  }
0x1f4: {  	v17 =	vld [tilespmem:s20+$0xFFFFFF90]  }
0x1f5: {  	v18 =	vld [tilespmem:s20+$0xFFFFFFE0];
	v9 =	vadd.s32 $0xFFFF3C80, v9  }
0x1f6: {  	v19 =	vld [tilespmem:s20+$0xFFFFFFC0];
	v13 =	vadd.s32 $0xFFFF3C80, v13;
	vm0 =	vgt.s32 v9, $0xFFFFFFFF  }
0x1f7: {  	v33 =	vld [tilespmem:s20+$0xFFFFFF80];
	v12 =	vadd.s32 $0xFFFF3C80, v12;
	vm2 =	vgt.s32 v13, $0xFFFFFFFF  }
0x1f8: {  	v34 =	vld [tilespmem:s20+$0x50];
	v10 =	vadd.s32 $0xFFFF3C80, v10;
	vm1 =	vgt.s32 v12, $0xFFFFFFFF  }
0x1f9: {  	v22 =	vld [tilespmem:s20+$0x70];
	v17 =	vadd.s32 $0xFFFF3C80, v17;
	vm3 =	vgt.s32 v10, $0xFFFFFFFF  }
0x1fa: {  	v23 =	vld [tilespmem:s20+$0x30];
	v18 =	vadd.s32 $0xFFFF3C80, v18;
	vm10 =	vgt.s32 v17, $0xFFFFFFFF  }
0x1fb: {  	v35 =	vld [tilespmem:s20+$0xFFFFFFB0];
	v16 =	vadd.s32 $0xFFFF3C80, v32;
	vm5 =	vgt.s32 v18, $0xFFFFFFFF  }
0x1fc: {  	v14 =	vadd.s32 $0xFFFF3C80, v31;
	vm7 =	vgt.s32 v16, $0xFFFFFFFF;
	v9 =	vld.idx.msk [tilespmem:v9+s13+$0x0], vm0  }
0x1fd: {  	v20 =	vadd.s32 $0xFFFF3C80, v33;
	vm4 =	vgt.s32 v14, $0xFFFFFFFF;
	v13 =	vld.idx.msk [tilespmem:v13+s13+$0x0], vm2  }
0x1fe: {  	s23 =	sadd.s32 $0xFFFFFF10, s19;
	v51 =	vmov s19;
	v11 =	vadd.s32 $0xFFFF3C80, v11;
	vm14 =	vgt.s32 v20, $0xFFFFFFFF;
	v12 =	vld.idx.msk [tilespmem:v12+s13+$0x0], vm1  }
0x1ff: {  	s24 =	sadd.s32 $0xFFFFFF90, s19;
	v36 =	vmov s23;
	v21 =	vadd.s32 $0xFFFF3C80, v34;
	vm12 =	vgt.s32 v11, $0xFFFFFFFF;
	v10 =	vld.idx.msk [tilespmem:v10+s13+$0x0], vm3  }
0x200: {  	s25 =	sadd.s32 $0xFFFFFFB0, s19;
	v41 =	vmov s24;
	v15 =	vadd.s32 $0xFFFF3C80, v15;
	vm6 =	vgt.s32 v21, $0xFFFFFFFF;
	v17 =	vld.idx.msk [tilespmem:v17+s13+$0x0], vm10  }
0x201: {  	v43 =	vmov s25;
	v19 =	vadd.s32 $0xFFFF3C80, v19;
	vm8 =	vgt.s32 v15, $0xFFFFFFFF;
	v18 =	vld.idx.msk [tilespmem:v18+s13+$0x0], vm5  }
0x202: {  	v25 =	vshrl.u32 v36, $0x7;
	v24 =	vadd.s32 $0xFFFF3C80, v35;
	vm13 =	vgt.s32 v19, $0xFFFFFFFF;
	v16 =	vld.idx.msk [tilespmem:v16+s13+$0x0], vm7  }
0x203: {  	v25 =	vshll.u32 v25, v1;
	v22 =	vadd.s32 $0xFFFF3C80, v22;
	vm15 =	vgt.s32 v24, $0xFFFFFFFF;
	v14 =	vld.idx.msk [tilespmem:v14+s13+$0x0], vm4  }
0x204: {  	s26 =	sadd.s32 $0xFFFFFFA0, s19;
	s28 =	sadd.s32 $0xFFFFFFC0, s19;
	v25 =	vbroadcast v25, $0x0;
	v23 =	vadd.s32 $0xFFFF3C80, v23;
	vm9 =	vgt.s32 v22, $0xFFFFFFFF;
	v20 =	vld.idx.msk [tilespmem:v20+s13+$0x0], vm14  }
0x205: {  	s29 =	sadd.s32 $0xFFFFFFD0, s19;
	s30 =	sadd.s32 $0xFFFFFFE0, s19;
	v45 =	vmov s26;
	v47 =	vmov s28;
	vm11 =	vgt.s32 v23, $0xFFFFFFFF;
	v11 =	vld.idx.msk [tilespmem:v11+s13+$0x0], vm12  }
0x206: {  	v50 =	vmov s29;
	v53 =	vmov s30;
	v37 =	vor.u32 v0, v25;
	v21 =	vld.idx.msk [tilespmem:v21+s13+$0x0], vm6  }
0x207: {  	s31 =	sadd.s32 $0xFFFFFFF0, s19;
	v54 =	vshrl.u32 v51, $0x7;
	v49 =	vshrl.u32 v47, $0x7;
	v38 =	vor.u32 v2, v25;
	v15 =	vld.idx.msk [tilespmem:v15+s13+$0x0], vm8  }
0x208: {  	v52 =	vshrl.u32 v50, $0x7;
	v56 =	vmov s31;
	v39 =	vor.u32 v3, v25;
	v19 =	vld.idx.msk [tilespmem:v19+s13+$0x0], vm13  }
0x209: {  	v58 =	vshrl.u32 v56, $0x7;
	v30 =	vshrl.u32 v41, $0x7;
	v40 =	vor.u32 v4, v25;
	v24 =	vld.idx.msk [tilespmem:v24+s13+$0x0], vm15  }
0x20a: {  	v55 =	vshrl.u32 v53, $0x7;
	v30 =	vshll.u32 v30, v1;
	v42 =	vor.u32 v5, v25;
	v22 =	vld.idx.msk [tilespmem:v22+s13+$0x0], vm9  }
0x20b: {  	v30 =	vbroadcast v30, $0x0;
	v44 =	vor.u32 v6, v25;
	v34 =	vshrl.u32 v45, $0x7;
	v23 =	vld.idx.msk [tilespmem:v23+s13+$0x0], vm11;
	[tilespmem:v37+s14+$0x0] =	vst.idx.msk vm14, v20  }
0x20c: {  	v46 =	vor.u32 v7, v25;
	v32 =	vshrl.u32 v43, $0x7;
	v34 =	vshll.u32 v34, v1;
	[tilespmem:v38+s14+$0x0] =	vst.idx.msk vm10, v17  }
0x20d: {  	v25 =	vor.u32 v8, v25;
	v32 =	vshll.u32 v32, v1;
	v34 =	vbroadcast v34, $0x0;
	[tilespmem:v39+s14+$0x0] =	vst.idx.msk vm12, v11  }
0x20e: {  	v30 =	vor.u32 v0, v30;
	v32 =	vbroadcast v32, $0x0;
	v11 =	vshll.u32 v49, v1;
	[tilespmem:v40+s14+$0x0] =	vst.idx.msk vm15, v24  }
0x20f: {  	v48 =	vor.u32 v2, v34;
	v17 =	vshll.u32 v52, v1;
	v11 =	vbroadcast v11, $0x0;
	[tilespmem:v42+s14+$0x0] =	vst.idx.msk vm13, v19  }
0x210: {  	v57 =	vshll.u32 v55, v1;
	v32 =	vor.u32 v3, v32;
	v17 =	vbroadcast v17, $0x0;
	[tilespmem:v44+s14+$0x0] =	vst.idx.msk vm7, v16  }
0x211: {  	v59 =	vshll.u32 v58, v1;
	v11 =	vor.u32 v4, v11;
	v16 =	vbroadcast v57, $0x0;
	[tilespmem:v46+s14+$0x0] =	vst.idx.msk vm5, v18  }
0x212: {  	v61 =	vshll.u32 v54, v1;
	v60 =	vbroadcast v59, $0x0;
	v17 =	vor.u32 v5, v17;
	[tilespmem:v25+s14+$0x0] =	vst.idx.msk vm2, v13  }
0x213: {  	v62 =	vbroadcast v61, $0x0;
	[tilespmem:v30+s14+$0x0] =	vst.idx.msk vm3, v10;
	v10 =	vor.u32 v6, v16  }
0x214: {  	v13 =	vor.u32 v7, v60;
	[tilespmem:v48+s14+$0x0] =	vst.idx.msk vm8, v15  }
0x215: {  	v63 =	vor.u32 v8, v62;
	[tilespmem:v32+s14+$0x0] =	vst.idx.msk vm1, v12  }
0x216: {  	[tilespmem:v11+s14+$0x0] =	vst.idx.msk vm11, v23  }
0x217: {  	[tilespmem:v17+s14+$0x0] =	vst.idx.msk vm4, v14  }
0x218: {  	s18 =	sadd.s32 $0x1, s18;
	[tilespmem:v10+s14+$0x0] =	vst.idx.msk vm6, v21  }
0x219: {  	p0 =	sne.s32 s18, s10;
	[tilespmem:v13+s14+$0x0] =	vst.idx.msk vm0, v9  }
.Ltmp4:
0x21a: {  	[tilespmem:v63+s14+$0x0] =	vst.idx.msk vm9, v22;
	(pc) =	sbr.rel @p0 .LBB2_1-.Ltmp4, $4  }
0x21b: {  	[hbm4b:s9+s17] =	stream.strided.scatter [tilespmem:s14], [sflag:$0x1], $0x4000, s12, s17, $0x38;
	[tilespmem:$0x14380] =	vst v63  }
0x21c: {  	_ =	swait.ge [sflag:s11], $0x4000  }
0x21d: {  	[sflag:s11] =	ssyncset.done $0x0  }
0x21e: {  	[sflag:s11] =	ssyncadd.s32 $0xFFFFC000  }
0x21f: {  	_ =	sfence.sel $0x180000  }
0x220: {  	[bflag:$0x0] =	sbarrier.arrive $0xFFFF  }
0x221: {  	p0 =	sne.s32 s3, $0x0;
	_ =	strace $0x90000047  }
0x222: {  	s0 =	sadd.s32 @!p0 $0x100000, s0;
	[bflag:$0x2] =	sbarrier.arrive $0xFFFF  }
0x223: {  	[sflag:s0] =	ssyncadd.tile.s32 @!p0 $0x1;
	_ =	shalt  }
.Lfunc_end2:
_tile_overlayer_lowered:
.L_overlay_start_2:
0x224: {  	(tag) =	ssettag $0x2  }
0x225: {  	s0 =	rddreg [dreg:$0x0];
	s2 =	stileid.u32  }
0x226: {  	s1 =	rddreg [dreg:$0x1];
	p0 =	sne.s32 s2, $0x0  }
0x227: {  	s3 =	rddreg [dreg:$0x2];
	[bflag:$0x3] =	sbarrier.arrive $0xFFFF;
	s2 =	simm.s32 @!p0 $0x1C01  }
0x228: {  	[timem:s3], [sflag:s2] =	dma.local @!p0 [hbm:s0], s1  }
0x229: {  	s0 =	simm.s32 @!p0 $0x1  }
0x22a: {  	_ =	swait.ge @!p0 [sflag:s0], s1  }
0x22b: {  	s1 =	ssub.s32 @!p0 $0x0, s1;
	[sflag:s0] =	ssyncset.done @!p0 $0x0  }
0x22c: {  	[sflag:s0] =	ssyncadd.s32 @!p0 s1  }
0x22d: {  	[bflag:$0x3] =	sbarrier.arrive $0xFFFF  }
0x22e: {  	_ =	shalt  }

</sc_bundles>
